<compile_context>
chip_gen: v7x
topology: tpu7x:2x2x1
jax: 0.10.2.dev20260603
libtpu: 0.0.44.dev20260713+nightly
codegen_flags: <defaults>
</compile_context>

<pallas_src>
import functools

import jax
import jax.numpy as jnp
from jax import lax
from jax.experimental import pallas as pl
from jax.experimental.pallas import tpu as pltpu
from jax.experimental.pallas import tpu_sc as plsc

L = 16
SCALE = 1.5
TAIL = 91 * 3
RSTART = 112 * 3


def _build(J, T, M):
    info = plsc.get_sparse_core_info()
    nc, ns = info.num_cores, info.num_subcores
    nw = nc * ns
    mesh = plsc.VectorSubcoreMesh(core_axis_name="c", subcore_axis_name="s")

    @functools.partial(
        pl.kernel,
        mesh=mesh,
        out_type=jax.ShapeDtypeStruct((J, T, M), jnp.float32),
        scratch_types=[
            pltpu.VMEM((T, M), jnp.float32),
            pltpu.VMEM((T, 128), jnp.float32),
        ],
        compiler_params=pltpu.CompilerParams(use_tc_tiling_on_sc=True),
    )
    def run(x_hbm, o_hbm, buf, wbuf):
        wid = lax.axis_index("c") * ns + lax.axis_index("s")

        def plane_body(i, carry):
            j = i * nw + wid

            @pl.when(j < TAIL)
            def _():
                pltpu.sync_copy(x_hbm.at[j], buf)
                pltpu.sync_copy(buf, o_hbm.at[j])

            @pl.when((j >= TAIL) & (j < J))
            def _():
                wj = jnp.where(j < RSTART,
                               TAIL + (j - TAIL) % 3,
                               RSTART + (j - RSTART) % 3)
                for m0 in (0, 128):
                    pltpu.sync_copy(x_hbm.at[j, :, pl.ds(m0, 128)],
                                    buf.at[:, pl.ds(0, 128)])
                    pltpu.sync_copy(x_hbm.at[wj, :, pl.ds(m0, 128)], wbuf)

                    def row_body(r, carry2):
                        for g in range(128 // L):
                            x = buf[r, pl.ds(g * L, L)]
                            w = wbuf[r, pl.ds(g * L, L)]
                            buf[r, pl.ds(g * L, L)] = (
                                x * SCALE - w * (SCALE - 1.0))
                        return carry2

                    lax.fori_loop(0, T, row_body, 0)
                    pltpu.sync_copy(buf.at[:, pl.ds(0, 128)],
                                    o_hbm.at[j, :, pl.ds(m0, 128)])
            return carry

        lax.fori_loop(0, (J + nw - 1) // nw, plane_body, 0)

    return run


def kernel(skeleton):
    M, T, V, C = skeleton.shape
    J = V * C
    xt = jnp.transpose(skeleton, (2, 3, 1, 0)).reshape(J, T, M)
    run = _build(J, T, M)
    out = run(xt)
    return out.reshape(V, C, T, M).transpose(3, 2, 0, 1)

# --- scband reference (transcript-rebuilt; emitter-appended) ---
"""Pipeline reference for scband-scale-hands-38525856645652 (READ-ONLY COPY).

The authoritative reference and input builder live on the scoring server;
editing this copy changes nothing except your own understanding.
"""

import jax, jax.numpy as jnp
import numpy as np

LEFT = jnp.array([91, 92, 93, 94, 95, 96, 97, 98, 99, 100, 101, 102, 103, 104, 105, 106, 107, 108, 109, 110, 111], dtype=jnp.int32)
RIGHT = jnp.array([112, 113, 114, 115, 116, 117, 118, 119, 120, 121, 122, 123, 124, 125, 126, 127, 128, 129, 130, 131, 132], dtype=jnp.int32)
SCALE = 1.5


def setup_inputs(seed: int = 0) -> dict:
    key = jax.random.key(seed)
    skeleton = jax.random.normal(key, (256, 300, 133, 3), dtype=jnp.float32)
    return {"skeleton": skeleton}


def reference(skeleton):
    # skeleton: (M, T, V, C); 4-D input so no unsqueeze/squeeze needed
    # wrist coords (computed before any mutation, as in the torch code)
    left_wrist = skeleton[:, :, LEFT[0], :][:, :, None, :]   # (M, T, 1, C)
    right_wrist = skeleton[:, :, RIGHT[0], :][:, :, None, :]  # (M, T, 1, C)

    # scale left hand about left wrist
    coords_l = jnp.take(skeleton, LEFT, axis=2)               # gather (M, T, 21, C)
    scaled_l = (coords_l - left_wrist) * SCALE + left_wrist
    skeleton = skeleton.at[:, :, LEFT, :].set(scaled_l)       # scatter-overwrite

    # scale right hand about right wrist
    coords_r = jnp.take(skeleton, RIGHT, axis=2)              # gather (M, T, 21, C)
    scaled_r = (coords_r - right_wrist) * SCALE + right_wrist
    skeleton = skeleton.at[:, :, RIGHT, :].set(scaled_r)      # scatter-overwrite

    return skeleton

if __name__ == "__main__":
    import jax
    _d = setup_inputs()
    print(jax.jit(kernel)(*tuple(_d.values())))

</pallas_src>

<mosaic_0001>
#map = affine_map<(d0, d1) -> (0, 0, 0)>
module attributes {stable_mosaic.version = 14 : i64} {
  func.func @run(%arg0: i32, %arg1: i32, %arg2: memref<399x300x256xf32, #tpu.memory_space<hbm>>, %arg3: memref<399x300x256xf32, #tpu.memory_space<hbm>>, %arg4: memref<300x256xf32, #tpu.memory_space<vmem>>, %arg5: memref<300x128xf32, #tpu.memory_space<vmem>>) attributes {dimension_semantics = [#tpu.dimension_semantics<core_parallel>, #tpu.dimension_semantics<subcore_parallel>], iteration_bounds = array<i64: 2, 16>, scalar_prefetch = 0 : i64, scratch_operands = 2 : i64, tpu.core_type = #tpu.core_type<sc_vector_subcore>, window_params = [{transform_indices = #map}, {transform_indices = #map}]} {
    %mul3A = arith.constant 16 : i32
    %mul3A_0 = arith.muli %arg0, %mul3A : i32
    %add3A = arith.addi %mul3A_0, %arg1 : i32
    %scan3A = arith.constant 0 : i32
    %scan3A_1 = arith.constant 0 : i32
    %scan3A_2 = arith.constant 13 : i32
    %scan3A_3 = arith.addi %scan3A_1, %scan3A_2 : i32
    %scan3A_4 = arith.constant 1 : i32
    scf.for %scan3A_6 = %scan3A_1 to %scan3A_3 step %scan3A_4  : i32 {
      %mul3A_7 = arith.constant 32 : i32
      %mul3A_8 = arith.muli %scan3A_6, %mul3A_7 : i32
      %add3A_9 = arith.addi %mul3A_8, %add3A : i32
      %lt3A = arith.constant 273 : i32
      %lt3A_10 = arith.cmpi slt, %add3A_9, %lt3A : i32
      %convert_element_type3A = arith.extui %lt3A_10 : i1 to i32
      %cond3A = arith.constant 0 : i32
      %cond3A_11 = arith.cmpi ne, %convert_element_type3A, %cond3A : i32
      scf.if %cond3A_11 {
        "tpu.region"() ({
          %run_scoped3A = tpu.sem_alloc : memref<!tpu.dma_semaphore, #tpu.memory_space<semaphore_mem>>
          %dma_start3A = arith.constant 0 : i32
          %dma_start3A_18 = arith.constant 0 : i32
          %dma_start3A_19 = tpu.memref_slice %arg2[%add3A_9, %dma_start3A, %dma_start3A_18] : memref<399x300x256xf32, #tpu.memory_space<hbm>> -> memref<1x300x256xf32, #tpu.memory_space<hbm>>
          %dma_start3A_20 = tpu.memref_squeeze %dma_start3A_19 : memref<1x300x256xf32, #tpu.memory_space<hbm>> -> memref<300x256xf32, #tpu.memory_space<hbm>>
          %dma_start3A_21 = arith.constant 0 : i32
          %dma_start3A_22 = arith.constant 0 : i32
          %dma_start3A_23 = tpu.memref_slice %arg2[%add3A_9, %dma_start3A_21, %dma_start3A_22] : memref<399x300x256xf32, #tpu.memory_space<hbm>> -> memref<1x300x256xf32, #tpu.memory_space<hbm>>
          %dma_start3A_24 = tpu.memref_squeeze %dma_start3A_23 : memref<1x300x256xf32, #tpu.memory_space<hbm>> -> memref<300x256xf32, #tpu.memory_space<hbm>>
          tpu.enqueue_dma source(%dma_start3A_24 : memref<300x256xf32, #tpu.memory_space<hbm>>) target(%arg4 : memref<300x256xf32, #tpu.memory_space<vmem>>) target_semaphore(%run_scoped3A : memref<!tpu.dma_semaphore, #tpu.memory_space<semaphore_mem>>)
          %dma_wait3A = arith.constant 0 : i32
          %dma_wait3A_25 = arith.constant 0 : i32
          %dma_wait3A_26 = tpu.memref_slice %arg2[%add3A_9, %dma_wait3A, %dma_wait3A_25] : memref<399x300x256xf32, #tpu.memory_space<hbm>> -> memref<1x300x256xf32, #tpu.memory_space<hbm>>
          %dma_wait3A_27 = tpu.memref_squeeze %dma_wait3A_26 : memref<1x300x256xf32, #tpu.memory_space<hbm>> -> memref<300x256xf32, #tpu.memory_space<hbm>>
          %dma_wait3A_28 = arith.constant 0 : i32
          %dma_wait3A_29 = arith.constant 0 : i32
          %dma_wait3A_30 = tpu.memref_slice %arg2[%add3A_9, %dma_wait3A_28, %dma_wait3A_29] : memref<399x300x256xf32, #tpu.memory_space<hbm>> -> memref<1x300x256xf32, #tpu.memory_space<hbm>>
          %dma_wait3A_31 = tpu.memref_squeeze %dma_wait3A_30 : memref<1x300x256xf32, #tpu.memory_space<hbm>> -> memref<300x256xf32, #tpu.memory_space<hbm>>
          tpu.wait_dma2 semaphore(%run_scoped3A : memref<!tpu.dma_semaphore, #tpu.memory_space<semaphore_mem>>) src(%dma_wait3A_31 : memref<300x256xf32, #tpu.memory_space<hbm>>) dst(%arg4 : memref<300x256xf32, #tpu.memory_space<vmem>>)
          tpu.yield
        }) : () -> ()
        "tpu.region"() ({
          %run_scoped3A = tpu.sem_alloc : memref<!tpu.dma_semaphore, #tpu.memory_space<semaphore_mem>>
          %dma_start3A = arith.constant 0 : i32
          %dma_start3A_18 = arith.constant 0 : i32
          %dma_start3A_19 = tpu.memref_slice %arg3[%add3A_9, %dma_start3A, %dma_start3A_18] : memref<399x300x256xf32, #tpu.memory_space<hbm>> -> memref<1x300x256xf32, #tpu.memory_space<hbm>>
          %dma_start3A_20 = tpu.memref_squeeze %dma_start3A_19 : memref<1x300x256xf32, #tpu.memory_space<hbm>> -> memref<300x256xf32, #tpu.memory_space<hbm>>
          %dma_start3A_21 = arith.constant 0 : i32
          %dma_start3A_22 = arith.constant 0 : i32
          %dma_start3A_23 = tpu.memref_slice %arg3[%add3A_9, %dma_start3A_21, %dma_start3A_22] : memref<399x300x256xf32, #tpu.memory_space<hbm>> -> memref<1x300x256xf32, #tpu.memory_space<hbm>>
          %dma_start3A_24 = tpu.memref_squeeze %dma_start3A_23 : memref<1x300x256xf32, #tpu.memory_space<hbm>> -> memref<300x256xf32, #tpu.memory_space<hbm>>
          tpu.enqueue_dma source(%arg4 : memref<300x256xf32, #tpu.memory_space<vmem>>) target(%dma_start3A_24 : memref<300x256xf32, #tpu.memory_space<hbm>>) target_semaphore(%run_scoped3A : memref<!tpu.dma_semaphore, #tpu.memory_space<semaphore_mem>>)
          %dma_wait3A = arith.constant 0 : i32
          %dma_wait3A_25 = arith.constant 0 : i32
          %dma_wait3A_26 = tpu.memref_slice %arg3[%add3A_9, %dma_wait3A, %dma_wait3A_25] : memref<399x300x256xf32, #tpu.memory_space<hbm>> -> memref<1x300x256xf32, #tpu.memory_space<hbm>>
          %dma_wait3A_27 = tpu.memref_squeeze %dma_wait3A_26 : memref<1x300x256xf32, #tpu.memory_space<hbm>> -> memref<300x256xf32, #tpu.memory_space<hbm>>
          %dma_wait3A_28 = arith.constant 0 : i32
          %dma_wait3A_29 = arith.constant 0 : i32
          %dma_wait3A_30 = tpu.memref_slice %arg3[%add3A_9, %dma_wait3A_28, %dma_wait3A_29] : memref<399x300x256xf32, #tpu.memory_space<hbm>> -> memref<1x300x256xf32, #tpu.memory_space<hbm>>
          %dma_wait3A_31 = tpu.memref_squeeze %dma_wait3A_30 : memref<1x300x256xf32, #tpu.memory_space<hbm>> -> memref<300x256xf32, #tpu.memory_space<hbm>>
          tpu.wait_dma2 semaphore(%run_scoped3A : memref<!tpu.dma_semaphore, #tpu.memory_space<semaphore_mem>>) src(%arg4 : memref<300x256xf32, #tpu.memory_space<vmem>>) dst(%dma_wait3A_31 : memref<300x256xf32, #tpu.memory_space<hbm>>)
          tpu.yield
        }) : () -> ()
      } else {
      }
      %ge3A = arith.constant 273 : i32
      %ge3A_12 = arith.cmpi sge, %add3A_9, %ge3A : i32
      %lt3A_13 = arith.constant 399 : i32
      %lt3A_14 = arith.cmpi slt, %add3A_9, %lt3A_13 : i32
      %and3A = arith.andi %ge3A_12, %lt3A_14 : i1
      %convert_element_type3A_15 = arith.extui %and3A : i1 to i32
      %cond3A_16 = arith.constant 0 : i32
      %cond3A_17 = arith.cmpi ne, %convert_element_type3A_15, %cond3A_16 : i32
      scf.if %cond3A_17 {
        %lt3A_18 = arith.constant 336 : i32
        %lt3A_19 = arith.cmpi slt, %add3A_9, %lt3A_18 : i32
        %sub3A = arith.constant 273 : i32
        %sub3A_20 = arith.subi %add3A_9, %sub3A : i32
        %jit3A = arith.constant 3 : i32
        %eq3A = arith.constant 0 : i32
        %eq3A_21 = arith.cmpi eq, %jit3A, %eq3A : i32
        %jit3A_22 = arith.constant 1 : i32
        %select_n3A = arith.select %eq3A_21, %jit3A_22, %jit3A : i32
        %rem3A = arith.remsi %sub3A_20, %select_n3A : i32
        %ne3A = arith.constant 0 : i32
        %ne3A_23 = arith.cmpi ne, %rem3A, %ne3A : i32
        %lt3A_24 = arith.constant 0 : i32
        %lt3A_25 = arith.cmpi slt, %rem3A, %lt3A_24 : i32
        %lt3A_26 = arith.constant 0 : i32
        %lt3A_27 = arith.cmpi slt, %select_n3A, %lt3A_26 : i32
        %ne3A_28 = arith.xori %lt3A_25, %lt3A_27 : i1
        %and3A_29 = arith.andi %ne3A_28, %ne3A_23 : i1
        %add3A_30 = arith.addi %rem3A, %select_n3A : i32
        %select_n3A_31 = arith.select %and3A_29, %add3A_30, %rem3A : i32
        %add3A_32 = arith.constant 273 : i32
        %add3A_33 = arith.addi %add3A_32, %select_n3A_31 : i32
        %sub3A_34 = arith.constant 336 : i32
        %sub3A_35 = arith.subi %add3A_9, %sub3A_34 : i32
        %jit3A_36 = arith.constant 3 : i32
        %eq3A_37 = arith.constant 0 : i32
        %eq3A_38 = arith.cmpi eq, %jit3A_36, %eq3A_37 : i32
        %jit3A_39 = arith.constant 1 : i32
        %select_n3A_40 = arith.select %eq3A_38, %jit3A_39, %jit3A_36 : i32
        %rem3A_41 = arith.remsi %sub3A_35, %select_n3A_40 : i32
        %ne3A_42 = arith.constant 0 : i32
        %ne3A_43 = arith.cmpi ne, %rem3A_41, %ne3A_42 : i32
        %lt3A_44 = arith.constant 0 : i32
        %lt3A_45 = arith.cmpi slt, %rem3A_41, %lt3A_44 : i32
        %lt3A_46 = arith.constant 0 : i32
        %lt3A_47 = arith.cmpi slt, %select_n3A_40, %lt3A_46 : i32
        %ne3A_48 = arith.xori %lt3A_45, %lt3A_47 : i1
        %and3A_49 = arith.andi %ne3A_48, %ne3A_43 : i1
        %add3A_50 = arith.addi %rem3A_41, %select_n3A_40 : i32
        %select_n3A_51 = arith.select %and3A_49, %add3A_50, %rem3A_41 : i32
        %add3A_52 = arith.constant 336 : i32
        %add3A_53 = arith.addi %add3A_52, %select_n3A_51 : i32
        %select_n3A_54 = arith.select %lt3A_19, %add3A_33, %add3A_53 : i32
        "tpu.region"() ({
          %run_scoped3A = tpu.sem_alloc : memref<!tpu.dma_semaphore, #tpu.memory_space<semaphore_mem>>
          %dma_start3A = arith.constant 0 : i32
          %dma_start3A_67 = arith.constant 0 : i32
          %dma_start3A_68 = tpu.memref_slice %arg4[%dma_start3A, %dma_start3A_67] : memref<300x256xf32, #tpu.memory_space<vmem>> -> memref<300x128xf32, #tpu.memory_space<vmem>>
          %dma_start3A_69 = arith.constant 0 : i32
          %dma_start3A_70 = arith.constant 0 : i32
          %dma_start3A_71 = tpu.memref_slice %arg2[%add3A_9, %dma_start3A_69, %dma_start3A_70] : memref<399x300x256xf32, #tpu.memory_space<hbm>> -> memref<1x300x128xf32, #tpu.memory_space<hbm>>
          %dma_start3A_72 = tpu.memref_squeeze %dma_start3A_71 : memref<1x300x128xf32, #tpu.memory_space<hbm>> -> memref<300x128xf32, #tpu.memory_space<hbm>>
          %dma_start3A_73 = arith.constant 0 : i32
          %dma_start3A_74 = arith.constant 0 : i32
          %dma_start3A_75 = tpu.memref_slice %arg4[%dma_start3A_73, %dma_start3A_74] : memref<300x256xf32, #tpu.memory_space<vmem>> -> memref<300x128xf32, #tpu.memory_space<vmem>>
          %dma_start3A_76 = arith.constant 0 : i32
          %dma_start3A_77 = arith.constant 0 : i32
          %dma_start3A_78 = tpu.memref_slice %arg2[%add3A_9, %dma_start3A_76, %dma_start3A_77] : memref<399x300x256xf32, #tpu.memory_space<hbm>> -> memref<1x300x128xf32, #tpu.memory_space<hbm>>
          %dma_start3A_79 = tpu.memref_squeeze %dma_start3A_78 : memref<1x300x128xf32, #tpu.memory_space<hbm>> -> memref<300x128xf32, #tpu.memory_space<hbm>>
          tpu.enqueue_dma source(%dma_start3A_79 : memref<300x128xf32, #tpu.memory_space<hbm>>) target(%dma_start3A_75 : memref<300x128xf32, #tpu.memory_space<vmem>>) target_semaphore(%run_scoped3A : memref<!tpu.dma_semaphore, #tpu.memory_space<semaphore_mem>>)
          %dma_wait3A = arith.constant 0 : i32
          %dma_wait3A_80 = arith.constant 0 : i32
          %dma_wait3A_81 = tpu.memref_slice %arg4[%dma_wait3A, %dma_wait3A_80] : memref<300x256xf32, #tpu.memory_space<vmem>> -> memref<300x128xf32, #tpu.memory_space<vmem>>
          %dma_wait3A_82 = arith.constant 0 : i32
          %dma_wait3A_83 = arith.constant 0 : i32
          %dma_wait3A_84 = tpu.memref_slice %arg2[%add3A_9, %dma_wait3A_82, %dma_wait3A_83] : memref<399x300x256xf32, #tpu.memory_space<hbm>> -> memref<1x300x128xf32, #tpu.memory_space<hbm>>
          %dma_wait3A_85 = tpu.memref_squeeze %dma_wait3A_84 : memref<1x300x128xf32, #tpu.memory_space<hbm>> -> memref<300x128xf32, #tpu.memory_space<hbm>>
          %dma_wait3A_86 = arith.constant 0 : i32
          %dma_wait3A_87 = arith.constant 0 : i32
          %dma_wait3A_88 = tpu.memref_slice %arg4[%dma_wait3A_86, %dma_wait3A_87] : memref<300x256xf32, #tpu.memory_space<vmem>> -> memref<300x128xf32, #tpu.memory_space<vmem>>
          %dma_wait3A_89 = arith.constant 0 : i32
          %dma_wait3A_90 = arith.constant 0 : i32
          %dma_wait3A_91 = tpu.memref_slice %arg2[%add3A_9, %dma_wait3A_89, %dma_wait3A_90] : memref<399x300x256xf32, #tpu.memory_space<hbm>> -> memref<1x300x128xf32, #tpu.memory_space<hbm>>
          %dma_wait3A_92 = tpu.memref_squeeze %dma_wait3A_91 : memref<1x300x128xf32, #tpu.memory_space<hbm>> -> memref<300x128xf32, #tpu.memory_space<hbm>>
          tpu.wait_dma2 semaphore(%run_scoped3A : memref<!tpu.dma_semaphore, #tpu.memory_space<semaphore_mem>>) src(%dma_wait3A_92 : memref<300x128xf32, #tpu.memory_space<hbm>>) dst(%dma_wait3A_88 : memref<300x128xf32, #tpu.memory_space<vmem>>)
          tpu.yield
        }) : () -> ()
        "tpu.region"() ({
          %run_scoped3A = tpu.sem_alloc : memref<!tpu.dma_semaphore, #tpu.memory_space<semaphore_mem>>
          %dma_start3A = arith.constant 0 : i32
          %dma_start3A_67 = arith.constant 0 : i32
          %dma_start3A_68 = tpu.memref_slice %arg2[%select_n3A_54, %dma_start3A, %dma_start3A_67] : memref<399x300x256xf32, #tpu.memory_space<hbm>> -> memref<1x300x128xf32, #tpu.memory_space<hbm>>
          %dma_start3A_69 = tpu.memref_squeeze %dma_start3A_68 : memref<1x300x128xf32, #tpu.memory_space<hbm>> -> memref<300x128xf32, #tpu.memory_space<hbm>>
          %dma_start3A_70 = arith.constant 0 : i32
          %dma_start3A_71 = arith.constant 0 : i32
          %dma_start3A_72 = tpu.memref_slice %arg2[%select_n3A_54, %dma_start3A_70, %dma_start3A_71] : memref<399x300x256xf32, #tpu.memory_space<hbm>> -> memref<1x300x128xf32, #tpu.memory_space<hbm>>
          %dma_start3A_73 = tpu.memref_squeeze %dma_start3A_72 : memref<1x300x128xf32, #tpu.memory_space<hbm>> -> memref<300x128xf32, #tpu.memory_space<hbm>>
          tpu.enqueue_dma source(%dma_start3A_73 : memref<300x128xf32, #tpu.memory_space<hbm>>) target(%arg5 : memref<300x128xf32, #tpu.memory_space<vmem>>) target_semaphore(%run_scoped3A : memref<!tpu.dma_semaphore, #tpu.memory_space<semaphore_mem>>)
          %dma_wait3A = arith.constant 0 : i32
          %dma_wait3A_74 = arith.constant 0 : i32
          %dma_wait3A_75 = tpu.memref_slice %arg2[%select_n3A_54, %dma_wait3A, %dma_wait3A_74] : memref<399x300x256xf32, #tpu.memory_space<hbm>> -> memref<1x300x128xf32, #tpu.memory_space<hbm>>
          %dma_wait3A_76 = tpu.memref_squeeze %dma_wait3A_75 : memref<1x300x128xf32, #tpu.memory_space<hbm>> -> memref<300x128xf32, #tpu.memory_space<hbm>>
          %dma_wait3A_77 = arith.constant 0 : i32
          %dma_wait3A_78 = arith.constant 0 : i32
          %dma_wait3A_79 = tpu.memref_slice %arg2[%select_n3A_54, %dma_wait3A_77, %dma_wait3A_78] : memref<399x300x256xf32, #tpu.memory_space<hbm>> -> memref<1x300x128xf32, #tpu.memory_space<hbm>>
          %dma_wait3A_80 = tpu.memref_squeeze %dma_wait3A_79 : memref<1x300x128xf32, #tpu.memory_space<hbm>> -> memref<300x128xf32, #tpu.memory_space<hbm>>
          tpu.wait_dma2 semaphore(%run_scoped3A : memref<!tpu.dma_semaphore, #tpu.memory_space<semaphore_mem>>) src(%dma_wait3A_80 : memref<300x128xf32, #tpu.memory_space<hbm>>) dst(%arg5 : memref<300x128xf32, #tpu.memory_space<vmem>>)
          tpu.yield
        }) : () -> ()
        %scan3A_55 = arith.constant 0 : i32
        %scan3A_56 = arith.constant 0 : i32
        %scan3A_57 = arith.constant 300 : i32
        %scan3A_58 = arith.addi %scan3A_56, %scan3A_57 : i32
        %scan3A_59 = arith.constant 1 : i32
        scf.for %scan3A_67 = %scan3A_56 to %scan3A_58 step %scan3A_59  : i32 {
          %get3A = arith.index_cast %scan3A_67 : i32 to index
          %get3A_68 = arith.constant 0 : index
          %get3A_69 = tpu.vector_load %arg4[%get3A, %get3A_68] {strides = array<i32>} : memref<300x256xf32, #tpu.memory_space<vmem>>, vector<1x16xf32>,
          %get3A_70 = vector.shape_cast %get3A_69 : vector<1x16xf32> to vector<16xf32>
          %get3A_71 = arith.index_cast %scan3A_67 : i32 to index
          %get3A_72 = arith.constant 0 : index
          %get3A_73 = tpu.vector_load %arg5[%get3A_71, %get3A_72] {strides = array<i32>} : memref<300x128xf32, #tpu.memory_space<vmem>>, vector<1x16xf32>,
          %get3A_74 = vector.shape_cast %get3A_73 : vector<1x16xf32> to vector<16xf32>
          %mul3A_75 = arith.constant 1.500000e+00 : f32
          %mul3A_76 = vector.broadcast %mul3A_75 : f32 to vector<16xf32>
          %mul3A_77 = arith.mulf %get3A_70, %mul3A_76 : vector<16xf32>
          %mul3A_78 = arith.constant 5.000000e-01 : f32
          %mul3A_79 = vector.broadcast %mul3A_78 : f32 to vector<16xf32>
          %mul3A_80 = arith.mulf %get3A_74, %mul3A_79 : vector<16xf32>
          %sub3A_81 = arith.subf %mul3A_77, %mul3A_80 : vector<16xf32>
          %swap3A = arith.index_cast %scan3A_67 : i32 to index
          %swap3A_82 = arith.constant 0 : index
          %swap3A_83 = tpu.vector_load %arg4[%swap3A, %swap3A_82] {strides = array<i32>} : memref<300x256xf32, #tpu.memory_space<vmem>>, vector<1x16xf32>,
          %swap3A_84 = vector.shape_cast %swap3A_83 : vector<1x16xf32> to vector<16xf32>
          %swap3A_85 = vector.shape_cast %sub3A_81 : vector<16xf32> to vector<1x16xf32>
          tpu.vector_store %arg4[%swap3A, %swap3A_82], %swap3A_85 {strides = array<i32>} : memref<300x256xf32, #tpu.memory_space<vmem>>, vector<1x16xf32>,
          %get3A_86 = arith.index_cast %scan3A_67 : i32 to index
          %get3A_87 = arith.constant 16 : index
          %get3A_88 = tpu.vector_load %arg4[%get3A_86, %get3A_87] {strides = array<i32>} : memref<300x256xf32, #tpu.memory_space<vmem>>, vector<1x16xf32>,
          %get3A_89 = vector.shape_cast %get3A_88 : vector<1x16xf32> to vector<16xf32>
          %get3A_90 = arith.index_cast %scan3A_67 : i32 to index
          %get3A_91 = arith.constant 16 : index
          %get3A_92 = tpu.vector_load %arg5[%get3A_90, %get3A_91] {strides = array<i32>} : memref<300x128xf32, #tpu.memory_space<vmem>>, vector<1x16xf32>,
          %get3A_93 = vector.shape_cast %get3A_92 : vector<1x16xf32> to vector<16xf32>
          %mul3A_94 = arith.constant 1.500000e+00 : f32
          %mul3A_95 = vector.broadcast %mul3A_94 : f32 to vector<16xf32>
          %mul3A_96 = arith.mulf %get3A_89, %mul3A_95 : vector<16xf32>
          %mul3A_97 = arith.constant 5.000000e-01 : f32
          %mul3A_98 = vector.broadcast %mul3A_97 : f32 to vector<16xf32>
          %mul3A_99 = arith.mulf %get3A_93, %mul3A_98 : vector<16xf32>
          %sub3A_100 = arith.subf %mul3A_96, %mul3A_99 : vector<16xf32>
          %swap3A_101 = arith.index_cast %scan3A_67 : i32 to index
          %swap3A_102 = arith.constant 16 : index
          %swap3A_103 = tpu.vector_load %arg4[%swap3A_101, %swap3A_102] {strides = array<i32>} : memref<300x256xf32, #tpu.memory_space<vmem>>, vector<1x16xf32>,
          %swap3A_104 = vector.shape_cast %swap3A_103 : vector<1x16xf32> to vector<16xf32>
          %swap3A_105 = vector.shape_cast %sub3A_100 : vector<16xf32> to vector<1x16xf32>
          tpu.vector_store %arg4[%swap3A_101, %swap3A_102], %swap3A_105 {strides = array<i32>} : memref<300x256xf32, #tpu.memory_space<vmem>>, vector<1x16xf32>,
          %get3A_106 = arith.index_cast %scan3A_67 : i32 to index
          %get3A_107 = arith.constant 32 : index
          %get3A_108 = tpu.vector_load %arg4[%get3A_106, %get3A_107] {strides = array<i32>} : memref<300x256xf32, #tpu.memory_space<vmem>>, vector<1x16xf32>,
          %get3A_109 = vector.shape_cast %get3A_108 : vector<1x16xf32> to vector<16xf32>
          %get3A_110 = arith.index_cast %scan3A_67 : i32 to index
          %get3A_111 = arith.constant 32 : index
          %get3A_112 = tpu.vector_load %arg5[%get3A_110, %get3A_111] {strides = array<i32>} : memref<300x128xf32, #tpu.memory_space<vmem>>, vector<1x16xf32>,
          %get3A_113 = vector.shape_cast %get3A_112 : vector<1x16xf32> to vector<16xf32>
          %mul3A_114 = arith.constant 1.500000e+00 : f32
          %mul3A_115 = vector.broadcast %mul3A_114 : f32 to vector<16xf32>
          %mul3A_116 = arith.mulf %get3A_109, %mul3A_115 : vector<16xf32>
          %mul3A_117 = arith.constant 5.000000e-01 : f32
          %mul3A_118 = vector.broadcast %mul3A_117 : f32 to vector<16xf32>
          %mul3A_119 = arith.mulf %get3A_113, %mul3A_118 : vector<16xf32>
          %sub3A_120 = arith.subf %mul3A_116, %mul3A_119 : vector<16xf32>
          %swap3A_121 = arith.index_cast %scan3A_67 : i32 to index
          %swap3A_122 = arith.constant 32 : index
          %swap3A_123 = tpu.vector_load %arg4[%swap3A_121, %swap3A_122] {strides = array<i32>} : memref<300x256xf32, #tpu.memory_space<vmem>>, vector<1x16xf32>,
          %swap3A_124 = vector.shape_cast %swap3A_123 : vector<1x16xf32> to vector<16xf32>
          %swap3A_125 = vector.shape_cast %sub3A_120 : vector<16xf32> to vector<1x16xf32>
          tpu.vector_store %arg4[%swap3A_121, %swap3A_122], %swap3A_125 {strides = array<i32>} : memref<300x256xf32, #tpu.memory_space<vmem>>, vector<1x16xf32>,
          %get3A_126 = arith.index_cast %scan3A_67 : i32 to index
          %get3A_127 = arith.constant 48 : index
          %get3A_128 = tpu.vector_load %arg4[%get3A_126, %get3A_127] {strides = array<i32>} : memref<300x256xf32, #tpu.memory_space<vmem>>, vector<1x16xf32>,
          %get3A_129 = vector.shape_cast %get3A_128 : vector<1x16xf32> to vector<16xf32>
          %get3A_130 = arith.index_cast %scan3A_67 : i32 to index
          %get3A_131 = arith.constant 48 : index
          %get3A_132 = tpu.vector_load %arg5[%get3A_130, %get3A_131] {strides = array<i32>} : memref<300x128xf32, #tpu.memory_space<vmem>>, vector<1x16xf32>,
          %get3A_133 = vector.shape_cast %get3A_132 : vector<1x16xf32> to vector<16xf32>
          %mul3A_134 = arith.constant 1.500000e+00 : f32
          %mul3A_135 = vector.broadcast %mul3A_134 : f32 to vector<16xf32>
          %mul3A_136 = arith.mulf %get3A_129, %mul3A_135 : vector<16xf32>
          %mul3A_137 = arith.constant 5.000000e-01 : f32
          %mul3A_138 = vector.broadcast %mul3A_137 : f32 to vector<16xf32>
          %mul3A_139 = arith.mulf %get3A_133, %mul3A_138 : vector<16xf32>
          %sub3A_140 = arith.subf %mul3A_136, %mul3A_139 : vector<16xf32>
          %swap3A_141 = arith.index_cast %scan3A_67 : i32 to index
          %swap3A_142 = arith.constant 48 : index
          %swap3A_143 = tpu.vector_load %arg4[%swap3A_141, %swap3A_142] {strides = array<i32>} : memref<300x256xf32, #tpu.memory_space<vmem>>, vector<1x16xf32>,
          %swap3A_144 = vector.shape_cast %swap3A_143 : vector<1x16xf32> to vector<16xf32>
          %swap3A_145 = vector.shape_cast %sub3A_140 : vector<16xf32> to vector<1x16xf32>
          tpu.vector_store %arg4[%swap3A_141, %swap3A_142], %swap3A_145 {strides = array<i32>} : memref<300x256xf32, #tpu.memory_space<vmem>>, vector<1x16xf32>,
          %get3A_146 = arith.index_cast %scan3A_67 : i32 to index
          %get3A_147 = arith.constant 64 : index
          %get3A_148 = tpu.vector_load %arg4[%get3A_146, %get3A_147] {strides = array<i32>} : memref<300x256xf32, #tpu.memory_space<vmem>>, vector<1x16xf32>,
          %get3A_149 = vector.shape_cast %get3A_148 : vector<1x16xf32> to vector<16xf32>
          %get3A_150 = arith.index_cast %scan3A_67 : i32 to index
          %get3A_151 = arith.constant 64 : index
          %get3A_152 = tpu.vector_load %arg5[%get3A_150, %get3A_151] {strides = array<i32>} : memref<300x128xf32, #tpu.memory_space<vmem>>, vector<1x16xf32>,
          %get3A_153 = vector.shape_cast %get3A_152 : vector<1x16xf32> to vector<16xf32>
          %mul3A_154 = arith.constant 1.500000e+00 : f32
          %mul3A_155 = vector.broadcast %mul3A_154 : f32 to vector<16xf32>
          %mul3A_156 = arith.mulf %get3A_149, %mul3A_155 : vector<16xf32>
          %mul3A_157 = arith.constant 5.000000e-01 : f32
          %mul3A_158 = vector.broadcast %mul3A_157 : f32 to vector<16xf32>
          %mul3A_159 = arith.mulf %get3A_153, %mul3A_158 : vector<16xf32>
          %sub3A_160 = arith.subf %mul3A_156, %mul3A_159 : vector<16xf32>
          %swap3A_161 = arith.index_cast %scan3A_67 : i32 to index
          %swap3A_162 = arith.constant 64 : index
          %swap3A_163 = tpu.vector_load %arg4[%swap3A_161, %swap3A_162] {strides = array<i32>} : memref<300x256xf32, #tpu.memory_space<vmem>>, vector<1x16xf32>,
          %swap3A_164 = vector.shape_cast %swap3A_163 : vector<1x16xf32> to vector<16xf32>
          %swap3A_165 = vector.shape_cast %sub3A_160 : vector<16xf32> to vector<1x16xf32>
          tpu.vector_store %arg4[%swap3A_161, %swap3A_162], %swap3A_165 {strides = array<i32>} : memref<300x256xf32, #tpu.memory_space<vmem>>, vector<1x16xf32>,
          %get3A_166 = arith.index_cast %scan3A_67 : i32 to index
          %get3A_167 = arith.constant 80 : index
          %get3A_168 = tpu.vector_load %arg4[%get3A_166, %get3A_167] {strides = array<i32>} : memref<300x256xf32, #tpu.memory_space<vmem>>, vector<1x16xf32>,
          %get3A_169 = vector.shape_cast %get3A_168 : vector<1x16xf32> to vector<16xf32>
          %get3A_170 = arith.index_cast %scan3A_67 : i32 to index
          %get3A_171 = arith.constant 80 : index
          %get3A_172 = tpu.vector_load %arg5[%get3A_170, %get3A_171] {strides = array<i32>} : memref<300x128xf32, #tpu.memory_space<vmem>>, vector<1x16xf32>,
          %get3A_173 = vector.shape_cast %get3A_172 : vector<1x16xf32> to vector<16xf32>
          %mul3A_174 = arith.constant 1.500000e+00 : f32
          %mul3A_175 = vector.broadcast %mul3A_174 : f32 to vector<16xf32>
          %mul3A_176 = arith.mulf %get3A_169, %mul3A_175 : vector<16xf32>
          %mul3A_177 = arith.constant 5.000000e-01 : f32
          %mul3A_178 = vector.broadcast %mul3A_177 : f32 to vector<16xf32>
          %mul3A_179 = arith.mulf %get3A_173, %mul3A_178 : vector<16xf32>
          %sub3A_180 = arith.subf %mul3A_176, %mul3A_179 : vector<16xf32>
          %swap3A_181 = arith.index_cast %scan3A_67 : i32 to index
          %swap3A_182 = arith.constant 80 : index
          %swap3A_183 = tpu.vector_load %arg4[%swap3A_181, %swap3A_182] {strides = array<i32>} : memref<300x256xf32, #tpu.memory_space<vmem>>, vector<1x16xf32>,
          %swap3A_184 = vector.shape_cast %swap3A_183 : vector<1x16xf32> to vector<16xf32>
          %swap3A_185 = vector.shape_cast %sub3A_180 : vector<16xf32> to vector<1x16xf32>
          tpu.vector_store %arg4[%swap3A_181, %swap3A_182], %swap3A_185 {strides = array<i32>} : memref<300x256xf32, #tpu.memory_space<vmem>>, vector<1x16xf32>,
          %get3A_186 = arith.index_cast %scan3A_67 : i32 to index
          %get3A_187 = arith.constant 96 : index
          %get3A_188 = tpu.vector_load %arg4[%get3A_186, %get3A_187] {strides = array<i32>} : memref<300x256xf32, #tpu.memory_space<vmem>>, vector<1x16xf32>,
          %get3A_189 = vector.shape_cast %get3A_188 : vector<1x16xf32> to vector<16xf32>
          %get3A_190 = arith.index_cast %scan3A_67 : i32 to index
          %get3A_191 = arith.constant 96 : index
          %get3A_192 = tpu.vector_load %arg5[%get3A_190, %get3A_191] {strides = array<i32>} : memref<300x128xf32, #tpu.memory_space<vmem>>, vector<1x16xf32>,
          %get3A_193 = vector.shape_cast %get3A_192 : vector<1x16xf32> to vector<16xf32>
          %mul3A_194 = arith.constant 1.500000e+00 : f32
          %mul3A_195 = vector.broadcast %mul3A_194 : f32 to vector<16xf32>
          %mul3A_196 = arith.mulf %get3A_189, %mul3A_195 : vector<16xf32>
          %mul3A_197 = arith.constant 5.000000e-01 : f32
          %mul3A_198 = vector.broadcast %mul3A_197 : f32 to vector<16xf32>
          %mul3A_199 = arith.mulf %get3A_193, %mul3A_198 : vector<16xf32>
          %sub3A_200 = arith.subf %mul3A_196, %mul3A_199 : vector<16xf32>
          %swap3A_201 = arith.index_cast %scan3A_67 : i32 to index
          %swap3A_202 = arith.constant 96 : index
          %swap3A_203 = tpu.vector_load %arg4[%swap3A_201, %swap3A_202] {strides = array<i32>} : memref<300x256xf32, #tpu.memory_space<vmem>>, vector<1x16xf32>,
          %swap3A_204 = vector.shape_cast %swap3A_203 : vector<1x16xf32> to vector<16xf32>
          %swap3A_205 = vector.shape_cast %sub3A_200 : vector<16xf32> to vector<1x16xf32>
          tpu.vector_store %arg4[%swap3A_201, %swap3A_202], %swap3A_205 {strides = array<i32>} : memref<300x256xf32, #tpu.memory_space<vmem>>, vector<1x16xf32>,
          %get3A_206 = arith.index_cast %scan3A_67 : i32 to index
          %get3A_207 = arith.constant 112 : index
          %get3A_208 = tpu.vector_load %arg4[%get3A_206, %get3A_207] {strides = array<i32>} : memref<300x256xf32, #tpu.memory_space<vmem>>, vector<1x16xf32>,
          %get3A_209 = vector.shape_cast %get3A_208 : vector<1x16xf32> to vector<16xf32>
          %get3A_210 = arith.index_cast %scan3A_67 : i32 to index
          %get3A_211 = arith.constant 112 : index
          %get3A_212 = tpu.vector_load %arg5[%get3A_210, %get3A_211] {strides = array<i32>} : memref<300x128xf32, #tpu.memory_space<vmem>>, vector<1x16xf32>,
          %get3A_213 = vector.shape_cast %get3A_212 : vector<1x16xf32> to vector<16xf32>
          %mul3A_214 = arith.constant 1.500000e+00 : f32
          %mul3A_215 = vector.broadcast %mul3A_214 : f32 to vector<16xf32>
          %mul3A_216 = arith.mulf %get3A_209, %mul3A_215 : vector<16xf32>
          %mul3A_217 = arith.constant 5.000000e-01 : f32
          %mul3A_218 = vector.broadcast %mul3A_217 : f32 to vector<16xf32>
          %mul3A_219 = arith.mulf %get3A_213, %mul3A_218 : vector<16xf32>
          %sub3A_220 = arith.subf %mul3A_216, %mul3A_219 : vector<16xf32>
          %swap3A_221 = arith.index_cast %scan3A_67 : i32 to index
          %swap3A_222 = arith.constant 112 : index
          %swap3A_223 = tpu.vector_load %arg4[%swap3A_221, %swap3A_222] {strides = array<i32>} : memref<300x256xf32, #tpu.memory_space<vmem>>, vector<1x16xf32>,
          %swap3A_224 = vector.shape_cast %swap3A_223 : vector<1x16xf32> to vector<16xf32>
          %swap3A_225 = vector.shape_cast %sub3A_220 : vector<16xf32> to vector<1x16xf32>
          tpu.vector_store %arg4[%swap3A_221, %swap3A_222], %swap3A_225 {strides = array<i32>} : memref<300x256xf32, #tpu.memory_space<vmem>>, vector<1x16xf32>,
        }
        %scan3A_60 = arith.constant 300 : i32
        "tpu.region"() ({
          %run_scoped3A = tpu.sem_alloc : memref<!tpu.dma_semaphore, #tpu.memory_space<semaphore_mem>>
          %dma_start3A = arith.constant 0 : i32
          %dma_start3A_67 = arith.constant 0 : i32
          %dma_start3A_68 = tpu.memref_slice %arg4[%dma_start3A, %dma_start3A_67] : memref<300x256xf32, #tpu.memory_space<vmem>> -> memref<300x128xf32, #tpu.memory_space<vmem>>
          %dma_start3A_69 = arith.constant 0 : i32
          %dma_start3A_70 = arith.constant 0 : i32
          %dma_start3A_71 = tpu.memref_slice %arg3[%add3A_9, %dma_start3A_69, %dma_start3A_70] : memref<399x300x256xf32, #tpu.memory_space<hbm>> -> memref<1x300x128xf32, #tpu.memory_space<hbm>>
          %dma_start3A_72 = tpu.memref_squeeze %dma_start3A_71 : memref<1x300x128xf32, #tpu.memory_space<hbm>> -> memref<300x128xf32, #tpu.memory_space<hbm>>
          %dma_start3A_73 = arith.constant 0 : i32
          %dma_start3A_74 = arith.constant 0 : i32
          %dma_start3A_75 = tpu.memref_slice %arg3[%add3A_9, %dma_start3A_73, %dma_start3A_74] : memref<399x300x256xf32, #tpu.memory_space<hbm>> -> memref<1x300x128xf32, #tpu.memory_space<hbm>>
          %dma_start3A_76 = tpu.memref_squeeze %dma_start3A_75 : memref<1x300x128xf32, #tpu.memory_space<hbm>> -> memref<300x128xf32, #tpu.memory_space<hbm>>
          %dma_start3A_77 = arith.constant 0 : i32
          %dma_start3A_78 = arith.constant 0 : i32
          %dma_start3A_79 = tpu.memref_slice %arg4[%dma_start3A_77, %dma_start3A_78] : memref<300x256xf32, #tpu.memory_space<vmem>> -> memref<300x128xf32, #tpu.memory_space<vmem>>
          tpu.enqueue_dma source(%dma_start3A_79 : memref<300x128xf32, #tpu.memory_space<vmem>>) target(%dma_start3A_76 : memref<300x128xf32, #tpu.memory_space<hbm>>) target_semaphore(%run_scoped3A : memref<!tpu.dma_semaphore, #tpu.memory_space<semaphore_mem>>)
          %dma_wait3A = arith.constant 0 : i32
          %dma_wait3A_80 = arith.constant 0 : i32
          %dma_wait3A_81 = tpu.memref_slice %arg4[%dma_wait3A, %dma_wait3A_80] : memref<300x256xf32, #tpu.memory_space<vmem>> -> memref<300x128xf32, #tpu.memory_space<vmem>>
          %dma_wait3A_82 = arith.constant 0 : i32
          %dma_wait3A_83 = arith.constant 0 : i32
          %dma_wait3A_84 = tpu.memref_slice %arg3[%add3A_9, %dma_wait3A_82, %dma_wait3A_83] : memref<399x300x256xf32, #tpu.memory_space<hbm>> -> memref<1x300x128xf32, #tpu.memory_space<hbm>>
          %dma_wait3A_85 = tpu.memref_squeeze %dma_wait3A_84 : memref<1x300x128xf32, #tpu.memory_space<hbm>> -> memref<300x128xf32, #tpu.memory_space<hbm>>
          %dma_wait3A_86 = arith.constant 0 : i32
          %dma_wait3A_87 = arith.constant 0 : i32
          %dma_wait3A_88 = tpu.memref_slice %arg3[%add3A_9, %dma_wait3A_86, %dma_wait3A_87] : memref<399x300x256xf32, #tpu.memory_space<hbm>> -> memref<1x300x128xf32, #tpu.memory_space<hbm>>
          %dma_wait3A_89 = tpu.memref_squeeze %dma_wait3A_88 : memref<1x300x128xf32, #tpu.memory_space<hbm>> -> memref<300x128xf32, #tpu.memory_space<hbm>>
          %dma_wait3A_90 = arith.constant 0 : i32
          %dma_wait3A_91 = arith.constant 0 : i32
          %dma_wait3A_92 = tpu.memref_slice %arg4[%dma_wait3A_90, %dma_wait3A_91] : memref<300x256xf32, #tpu.memory_space<vmem>> -> memref<300x128xf32, #tpu.memory_space<vmem>>
          tpu.wait_dma2 semaphore(%run_scoped3A : memref<!tpu.dma_semaphore, #tpu.memory_space<semaphore_mem>>) src(%dma_wait3A_92 : memref<300x128xf32, #tpu.memory_space<vmem>>) dst(%dma_wait3A_89 : memref<300x128xf32, #tpu.memory_space<hbm>>)
          tpu.yield
        }) : () -> ()
        "tpu.region"() ({
          %run_scoped3A = tpu.sem_alloc : memref<!tpu.dma_semaphore, #tpu.memory_space<semaphore_mem>>
          %dma_start3A = arith.constant 0 : i32
          %dma_start3A_67 = arith.constant 0 : i32
          %dma_start3A_68 = tpu.memref_slice %arg4[%dma_start3A, %dma_start3A_67] : memref<300x256xf32, #tpu.memory_space<vmem>> -> memref<300x128xf32, #tpu.memory_space<vmem>>
          %dma_start3A_69 = arith.constant 0 : i32
          %dma_start3A_70 = arith.constant 128 : i32
          %dma_start3A_71 = tpu.memref_slice %arg2[%add3A_9, %dma_start3A_69, %dma_start3A_70] : memref<399x300x256xf32, #tpu.memory_space<hbm>> -> memref<1x300x128xf32, #tpu.memory_space<hbm>>
          %dma_start3A_72 = tpu.memref_squeeze %dma_start3A_71 : memref<1x300x128xf32, #tpu.memory_space<hbm>> -> memref<300x128xf32, #tpu.memory_space<hbm>>
          %dma_start3A_73 = arith.constant 0 : i32
          %dma_start3A_74 = arith.constant 0 : i32
          %dma_start3A_75 = tpu.memref_slice %arg4[%dma_start3A_73, %dma_start3A_74] : memref<300x256xf32, #tpu.memory_space<vmem>> -> memref<300x128xf32, #tpu.memory_space<vmem>>
          %dma_start3A_76 = arith.constant 0 : i32
          %dma_start3A_77 = arith.constant 128 : i32
          %dma_start3A_78 = tpu.memref_slice %arg2[%add3A_9, %dma_start3A_76, %dma_start3A_77] : memref<399x300x256xf32, #tpu.memory_space<hbm>> -> memref<1x300x128xf32, #tpu.memory_space<hbm>>
          %dma_start3A_79 = tpu.memref_squeeze %dma_start3A_78 : memref<1x300x128xf32, #tpu.memory_space<hbm>> -> memref<300x128xf32, #tpu.memory_space<hbm>>
          tpu.enqueue_dma source(%dma_start3A_79 : memref<300x128xf32, #tpu.memory_space<hbm>>) target(%dma_start3A_75 : memref<300x128xf32, #tpu.memory_space<vmem>>) target_semaphore(%run_scoped3A : memref<!tpu.dma_semaphore, #tpu.memory_space<semaphore_mem>>)
          %dma_wait3A = arith.constant 0 : i32
          %dma_wait3A_80 = arith.constant 0 : i32
          %dma_wait3A_81 = tpu.memref_slice %arg4[%dma_wait3A, %dma_wait3A_80] : memref<300x256xf32, #tpu.memory_space<vmem>> -> memref<300x128xf32, #tpu.memory_space<vmem>>
          %dma_wait3A_82 = arith.constant 0 : i32
          %dma_wait3A_83 = arith.constant 128 : i32
          %dma_wait3A_84 = tpu.memref_slice %arg2[%add3A_9, %dma_wait3A_82, %dma_wait3A_83] : memref<399x300x256xf32, #tpu.memory_space<hbm>> -> memref<1x300x128xf32, #tpu.memory_space<hbm>>
          %dma_wait3A_85 = tpu.memref_squeeze %dma_wait3A_84 : memref<1x300x128xf32, #tpu.memory_space<hbm>> -> memref<300x128xf32, #tpu.memory_space<hbm>>
          %dma_wait3A_86 = arith.constant 0 : i32
          %dma_wait3A_87 = arith.constant 0 : i32
          %dma_wait3A_88 = tpu.memref_slice %arg4[%dma_wait3A_86, %dma_wait3A_87] : memref<300x256xf32, #tpu.memory_space<vmem>> -> memref<300x128xf32, #tpu.memory_space<vmem>>
          %dma_wait3A_89 = arith.constant 0 : i32
          %dma_wait3A_90 = arith.constant 128 : i32
          %dma_wait3A_91 = tpu.memref_slice %arg2[%add3A_9, %dma_wait3A_89, %dma_wait3A_90] : memref<399x300x256xf32, #tpu.memory_space<hbm>> -> memref<1x300x128xf32, #tpu.memory_space<hbm>>
          %dma_wait3A_92 = tpu.memref_squeeze %dma_wait3A_91 : memref<1x300x128xf32, #tpu.memory_space<hbm>> -> memref<300x128xf32, #tpu.memory_space<hbm>>
          tpu.wait_dma2 semaphore(%run_scoped3A : memref<!tpu.dma_semaphore, #tpu.memory_space<semaphore_mem>>) src(%dma_wait3A_92 : memref<300x128xf32, #tpu.memory_space<hbm>>) dst(%dma_wait3A_88 : memref<300x128xf32, #tpu.memory_space<vmem>>)
          tpu.yield
        }) : () -> ()
        "tpu.region"() ({
          %run_scoped3A = tpu.sem_alloc : memref<!tpu.dma_semaphore, #tpu.memory_space<semaphore_mem>>
          %dma_start3A = arith.constant 0 : i32
          %dma_start3A_67 = arith.constant 128 : i32
          %dma_start3A_68 = tpu.memref_slice %arg2[%select_n3A_54, %dma_start3A, %dma_start3A_67] : memref<399x300x256xf32, #tpu.memory_space<hbm>> -> memref<1x300x128xf32, #tpu.memory_space<hbm>>
          %dma_start3A_69 = tpu.memref_squeeze %dma_start3A_68 : memref<1x300x128xf32, #tpu.memory_space<hbm>> -> memref<300x128xf32, #tpu.memory_space<hbm>>
          %dma_start3A_70 = arith.constant 0 : i32
          %dma_start3A_71 = arith.constant 128 : i32
          %dma_start3A_72 = tpu.memref_slice %arg2[%select_n3A_54, %dma_start3A_70, %dma_start3A_71] : memref<399x300x256xf32, #tpu.memory_space<hbm>> -> memref<1x300x128xf32, #tpu.memory_space<hbm>>
          %dma_start3A_73 = tpu.memref_squeeze %dma_start3A_72 : memref<1x300x128xf32, #tpu.memory_space<hbm>> -> memref<300x128xf32, #tpu.memory_space<hbm>>
          tpu.enqueue_dma source(%dma_start3A_73 : memref<300x128xf32, #tpu.memory_space<hbm>>) target(%arg5 : memref<300x128xf32, #tpu.memory_space<vmem>>) target_semaphore(%run_scoped3A : memref<!tpu.dma_semaphore, #tpu.memory_space<semaphore_mem>>)
          %dma_wait3A = arith.constant 0 : i32
          %dma_wait3A_74 = arith.constant 128 : i32
          %dma_wait3A_75 = tpu.memref_slice %arg2[%select_n3A_54, %dma_wait3A, %dma_wait3A_74] : memref<399x300x256xf32, #tpu.memory_space<hbm>> -> memref<1x300x128xf32, #tpu.memory_space<hbm>>
          %dma_wait3A_76 = tpu.memref_squeeze %dma_wait3A_75 : memref<1x300x128xf32, #tpu.memory_space<hbm>> -> memref<300x128xf32, #tpu.memory_space<hbm>>
          %dma_wait3A_77 = arith.constant 0 : i32
          %dma_wait3A_78 = arith.constant 128 : i32
          %dma_wait3A_79 = tpu.memref_slice %arg2[%select_n3A_54, %dma_wait3A_77, %dma_wait3A_78] : memref<399x300x256xf32, #tpu.memory_space<hbm>> -> memref<1x300x128xf32, #tpu.memory_space<hbm>>
          %dma_wait3A_80 = tpu.memref_squeeze %dma_wait3A_79 : memref<1x300x128xf32, #tpu.memory_space<hbm>> -> memref<300x128xf32, #tpu.memory_space<hbm>>
          tpu.wait_dma2 semaphore(%run_scoped3A : memref<!tpu.dma_semaphore, #tpu.memory_space<semaphore_mem>>) src(%dma_wait3A_80 : memref<300x128xf32, #tpu.memory_space<hbm>>) dst(%arg5 : memref<300x128xf32, #tpu.memory_space<vmem>>)
          tpu.yield
        }) : () -> ()
        %scan3A_61 = arith.constant 0 : i32
        %scan3A_62 = arith.constant 0 : i32
        %scan3A_63 = arith.constant 300 : i32
        %scan3A_64 = arith.addi %scan3A_62, %scan3A_63 : i32
        %scan3A_65 = arith.constant 1 : i32
        scf.for %scan3A_67 = %scan3A_62 to %scan3A_64 step %scan3A_65  : i32 {
          %get3A = arith.index_cast %scan3A_67 : i32 to index
          %get3A_68 = arith.constant 0 : index
          %get3A_69 = tpu.vector_load %arg4[%get3A, %get3A_68] {strides = array<i32>} : memref<300x256xf32, #tpu.memory_space<vmem>>, vector<1x16xf32>,
          %get3A_70 = vector.shape_cast %get3A_69 : vector<1x16xf32> to vector<16xf32>
          %get3A_71 = arith.index_cast %scan3A_67 : i32 to index
          %get3A_72 = arith.constant 0 : index
          %get3A_73 = tpu.vector_load %arg5[%get3A_71, %get3A_72] {strides = array<i32>} : memref<300x128xf32, #tpu.memory_space<vmem>>, vector<1x16xf32>,
          %get3A_74 = vector.shape_cast %get3A_73 : vector<1x16xf32> to vector<16xf32>
          %mul3A_75 = arith.constant 1.500000e+00 : f32
          %mul3A_76 = vector.broadcast %mul3A_75 : f32 to vector<16xf32>
          %mul3A_77 = arith.mulf %get3A_70, %mul3A_76 : vector<16xf32>
          %mul3A_78 = arith.constant 5.000000e-01 : f32
          %mul3A_79 = vector.broadcast %mul3A_78 : f32 to vector<16xf32>
          %mul3A_80 = arith.mulf %get3A_74, %mul3A_79 : vector<16xf32>
          %sub3A_81 = arith.subf %mul3A_77, %mul3A_80 : vector<16xf32>
          %swap3A = arith.index_cast %scan3A_67 : i32 to index
          %swap3A_82 = arith.constant 0 : index
          %swap3A_83 = tpu.vector_load %arg4[%swap3A, %swap3A_82] {strides = array<i32>} : memref<300x256xf32, #tpu.memory_space<vmem>>, vector<1x16xf32>,
          %swap3A_84 = vector.shape_cast %swap3A_83 : vector<1x16xf32> to vector<16xf32>
          %swap3A_85 = vector.shape_cast %sub3A_81 : vector<16xf32> to vector<1x16xf32>
          tpu.vector_store %arg4[%swap3A, %swap3A_82], %swap3A_85 {strides = array<i32>} : memref<300x256xf32, #tpu.memory_space<vmem>>, vector<1x16xf32>,
          %get3A_86 = arith.index_cast %scan3A_67 : i32 to index
          %get3A_87 = arith.constant 16 : index
          %get3A_88 = tpu.vector_load %arg4[%get3A_86, %get3A_87] {strides = array<i32>} : memref<300x256xf32, #tpu.memory_space<vmem>>, vector<1x16xf32>,
          %get3A_89 = vector.shape_cast %get3A_88 : vector<1x16xf32> to vector<16xf32>
          %get3A_90 = arith.index_cast %scan3A_67 : i32 to index
          %get3A_91 = arith.constant 16 : index
          %get3A_92 = tpu.vector_load %arg5[%get3A_90, %get3A_91] {strides = array<i32>} : memref<300x128xf32, #tpu.memory_space<vmem>>, vector<1x16xf32>,
          %get3A_93 = vector.shape_cast %get3A_92 : vector<1x16xf32> to vector<16xf32>
          %mul3A_94 = arith.constant 1.500000e+00 : f32
          %mul3A_95 = vector.broadcast %mul3A_94 : f32 to vector<16xf32>
          %mul3A_96 = arith.mulf %get3A_89, %mul3A_95 : vector<16xf32>
          %mul3A_97 = arith.constant 5.000000e-01 : f32
          %mul3A_98 = vector.broadcast %mul3A_97 : f32 to vector<16xf32>
          %mul3A_99 = arith.mulf %get3A_93, %mul3A_98 : vector<16xf32>
          %sub3A_100 = arith.subf %mul3A_96, %mul3A_99 : vector<16xf32>
          %swap3A_101 = arith.index_cast %scan3A_67 : i32 to index
          %swap3A_102 = arith.constant 16 : index
          %swap3A_103 = tpu.vector_load %arg4[%swap3A_101, %swap3A_102] {strides = array<i32>} : memref<300x256xf32, #tpu.memory_space<vmem>>, vector<1x16xf32>,
          %swap3A_104 = vector.shape_cast %swap3A_103 : vector<1x16xf32> to vector<16xf32>
          %swap3A_105 = vector.shape_cast %sub3A_100 : vector<16xf32> to vector<1x16xf32>
          tpu.vector_store %arg4[%swap3A_101, %swap3A_102], %swap3A_105 {strides = array<i32>} : memref<300x256xf32, #tpu.memory_space<vmem>>, vector<1x16xf32>,
          %get3A_106 = arith.index_cast %scan3A_67 : i32 to index
          %get3A_107 = arith.constant 32 : index
          %get3A_108 = tpu.vector_load %arg4[%get3A_106, %get3A_107] {strides = array<i32>} : memref<300x256xf32, #tpu.memory_space<vmem>>, vector<1x16xf32>,
          %get3A_109 = vector.shape_cast %get3A_108 : vector<1x16xf32> to vector<16xf32>
          %get3A_110 = arith.index_cast %scan3A_67 : i32 to index
          %get3A_111 = arith.constant 32 : index
          %get3A_112 = tpu.vector_load %arg5[%get3A_110, %get3A_111] {strides = array<i32>} : memref<300x128xf32, #tpu.memory_space<vmem>>, vector<1x16xf32>,
          %get3A_113 = vector.shape_cast %get3A_112 : vector<1x16xf32> to vector<16xf32>
          %mul3A_114 = arith.constant 1.500000e+00 : f32
          %mul3A_115 = vector.broadcast %mul3A_114 : f32 to vector<16xf32>
          %mul3A_116 = arith.mulf %get3A_109, %mul3A_115 : vector<16xf32>
          %mul3A_117 = arith.constant 5.000000e-01 : f32
          %mul3A_118 = vector.broadcast %mul3A_117 : f32 to vector<16xf32>
          %mul3A_119 = arith.mulf %get3A_113, %mul3A_118 : vector<16xf32>
          %sub3A_120 = arith.subf %mul3A_116, %mul3A_119 : vector<16xf32>
          %swap3A_121 = arith.index_cast %scan3A_67 : i32 to index
          %swap3A_122 = arith.constant 32 : index
          %swap3A_123 = tpu.vector_load %arg4[%swap3A_121, %swap3A_122] {strides = array<i32>} : memref<300x256xf32, #tpu.memory_space<vmem>>, vector<1x16xf32>,
          %swap3A_124 = vector.shape_cast %swap3A_123 : vector<1x16xf32> to vector<16xf32>
          %swap3A_125 = vector.shape_cast %sub3A_120 : vector<16xf32> to vector<1x16xf32>
          tpu.vector_store %arg4[%swap3A_121, %swap3A_122], %swap3A_125 {strides = array<i32>} : memref<300x256xf32, #tpu.memory_space<vmem>>, vector<1x16xf32>,
          %get3A_126 = arith.index_cast %scan3A_67 : i32 to index
          %get3A_127 = arith.constant 48 : index
          %get3A_128 = tpu.vector_load %arg4[%get3A_126, %get3A_127] {strides = array<i32>} : memref<300x256xf32, #tpu.memory_space<vmem>>, vector<1x16xf32>,
          %get3A_129 = vector.shape_cast %get3A_128 : vector<1x16xf32> to vector<16xf32>
          %get3A_130 = arith.index_cast %scan3A_67 : i32 to index
          %get3A_131 = arith.constant 48 : index
          %get3A_132 = tpu.vector_load %arg5[%get3A_130, %get3A_131] {strides = array<i32>} : memref<300x128xf32, #tpu.memory_space<vmem>>, vector<1x16xf32>,
          %get3A_133 = vector.shape_cast %get3A_132 : vector<1x16xf32> to vector<16xf32>
          %mul3A_134 = arith.constant 1.500000e+00 : f32
          %mul3A_135 = vector.broadcast %mul3A_134 : f32 to vector<16xf32>
          %mul3A_136 = arith.mulf %get3A_129, %mul3A_135 : vector<16xf32>
          %mul3A_137 = arith.constant 5.000000e-01 : f32
          %mul3A_138 = vector.broadcast %mul3A_137 : f32 to vector<16xf32>
          %mul3A_139 = arith.mulf %get3A_133, %mul3A_138 : vector<16xf32>
          %sub3A_140 = arith.subf %mul3A_136, %mul3A_139 : vector<16xf32>
          %swap3A_141 = arith.index_cast %scan3A_67 : i32 to index
          %swap3A_142 = arith.constant 48 : index
          %swap3A_143 = tpu.vector_load %arg4[%swap3A_141, %swap3A_142] {strides = array<i32>} : memref<300x256xf32, #tpu.memory_space<vmem>>, vector<1x16xf32>,
          %swap3A_144 = vector.shape_cast %swap3A_143 : vector<1x16xf32> to vector<16xf32>
          %swap3A_145 = vector.shape_cast %sub3A_140 : vector<16xf32> to vector<1x16xf32>
          tpu.vector_store %arg4[%swap3A_141, %swap3A_142], %swap3A_145 {strides = array<i32>} : memref<300x256xf32, #tpu.memory_space<vmem>>, vector<1x16xf32>,
          %get3A_146 = arith.index_cast %scan3A_67 : i32 to index
          %get3A_147 = arith.constant 64 : index
          %get3A_148 = tpu.vector_load %arg4[%get3A_146, %get3A_147] {strides = array<i32>} : memref<300x256xf32, #tpu.memory_space<vmem>>, vector<1x16xf32>,
          %get3A_149 = vector.shape_cast %get3A_148 : vector<1x16xf32> to vector<16xf32>
          %get3A_150 = arith.index_cast %scan3A_67 : i32 to index
          %get3A_151 = arith.constant 64 : index
          %get3A_152 = tpu.vector_load %arg5[%get3A_150, %get3A_151] {strides = array<i32>} : memref<300x128xf32, #tpu.memory_space<vmem>>, vector<1x16xf32>,
          %get3A_153 = vector.shape_cast %get3A_152 : vector<1x16xf32> to vector<16xf32>
          %mul3A_154 = arith.constant 1.500000e+00 : f32
          %mul3A_155 = vector.broadcast %mul3A_154 : f32 to vector<16xf32>
          %mul3A_156 = arith.mulf %get3A_149, %mul3A_155 : vector<16xf32>
          %mul3A_157 = arith.constant 5.000000e-01 : f32
          %mul3A_158 = vector.broadcast %mul3A_157 : f32 to vector<16xf32>
          %mul3A_159 = arith.mulf %get3A_153, %mul3A_158 : vector<16xf32>
          %sub3A_160 = arith.subf %mul3A_156, %mul3A_159 : vector<16xf32>
          %swap3A_161 = arith.index_cast %scan3A_67 : i32 to index
          %swap3A_162 = arith.constant 64 : index
          %swap3A_163 = tpu.vector_load %arg4[%swap3A_161, %swap3A_162] {strides = array<i32>} : memref<300x256xf32, #tpu.memory_space<vmem>>, vector<1x16xf32>,
          %swap3A_164 = vector.shape_cast %swap3A_163 : vector<1x16xf32> to vector<16xf32>
          %swap3A_165 = vector.shape_cast %sub3A_160 : vector<16xf32> to vector<1x16xf32>
          tpu.vector_store %arg4[%swap3A_161, %swap3A_162], %swap3A_165 {strides = array<i32>} : memref<300x256xf32, #tpu.memory_space<vmem>>, vector<1x16xf32>,
          %get3A_166 = arith.index_cast %scan3A_67 : i32 to index
          %get3A_167 = arith.constant 80 : index
          %get3A_168 = tpu.vector_load %arg4[%get3A_166, %get3A_167] {strides = array<i32>} : memref<300x256xf32, #tpu.memory_space<vmem>>, vector<1x16xf32>,
          %get3A_169 = vector.shape_cast %get3A_168 : vector<1x16xf32> to vector<16xf32>
          %get3A_170 = arith.index_cast %scan3A_67 : i32 to index
          %get3A_171 = arith.constant 80 : index
          %get3A_172 = tpu.vector_load %arg5[%get3A_170, %get3A_171] {strides = array<i32>} : memref<300x128xf32, #tpu.memory_space<vmem>>, vector<1x16xf32>,
          %get3A_173 = vector.shape_cast %get3A_172 : vector<1x16xf32> to vector<16xf32>
          %mul3A_174 = arith.constant 1.500000e+00 : f32
          %mul3A_175 = vector.broadcast %mul3A_174 : f32 to vector<16xf32>
          %mul3A_176 = arith.mulf %get3A_169, %mul3A_175 : vector<16xf32>
          %mul3A_177 = arith.constant 5.000000e-01 : f32
          %mul3A_178 = vector.broadcast %mul3A_177 : f32 to vector<16xf32>
          %mul3A_179 = arith.mulf %get3A_173, %mul3A_178 : vector<16xf32>
          %sub3A_180 = arith.subf %mul3A_176, %mul3A_179 : vector<16xf32>
          %swap3A_181 = arith.index_cast %scan3A_67 : i32 to index
          %swap3A_182 = arith.constant 80 : index
          %swap3A_183 = tpu.vector_load %arg4[%swap3A_181, %swap3A_182] {strides = array<i32>} : memref<300x256xf32, #tpu.memory_space<vmem>>, vector<1x16xf32>,
          %swap3A_184 = vector.shape_cast %swap3A_183 : vector<1x16xf32> to vector<16xf32>
          %swap3A_185 = vector.shape_cast %sub3A_180 : vector<16xf32> to vector<1x16xf32>
          tpu.vector_store %arg4[%swap3A_181, %swap3A_182], %swap3A_185 {strides = array<i32>} : memref<300x256xf32, #tpu.memory_space<vmem>>, vector<1x16xf32>,
          %get3A_186 = arith.index_cast %scan3A_67 : i32 to index
          %get3A_187 = arith.constant 96 : index
          %get3A_188 = tpu.vector_load %arg4[%get3A_186, %get3A_187] {strides = array<i32>} : memref<300x256xf32, #tpu.memory_space<vmem>>, vector<1x16xf32>,
          %get3A_189 = vector.shape_cast %get3A_188 : vector<1x16xf32> to vector<16xf32>
          %get3A_190 = arith.index_cast %scan3A_67 : i32 to index
          %get3A_191 = arith.constant 96 : index
          %get3A_192 = tpu.vector_load %arg5[%get3A_190, %get3A_191] {strides = array<i32>} : memref<300x128xf32, #tpu.memory_space<vmem>>, vector<1x16xf32>,
          %get3A_193 = vector.shape_cast %get3A_192 : vector<1x16xf32> to vector<16xf32>
          %mul3A_194 = arith.constant 1.500000e+00 : f32
          %mul3A_195 = vector.broadcast %mul3A_194 : f32 to vector<16xf32>
          %mul3A_196 = arith.mulf %get3A_189, %mul3A_195 : vector<16xf32>
          %mul3A_197 = arith.constant 5.000000e-01 : f32
          %mul3A_198 = vector.broadcast %mul3A_197 : f32 to vector<16xf32>
          %mul3A_199 = arith.mulf %get3A_193, %mul3A_198 : vector<16xf32>
          %sub3A_200 = arith.subf %mul3A_196, %mul3A_199 : vector<16xf32>
          %swap3A_201 = arith.index_cast %scan3A_67 : i32 to index
          %swap3A_202 = arith.constant 96 : index
          %swap3A_203 = tpu.vector_load %arg4[%swap3A_201, %swap3A_202] {strides = array<i32>} : memref<300x256xf32, #tpu.memory_space<vmem>>, vector<1x16xf32>,
          %swap3A_204 = vector.shape_cast %swap3A_203 : vector<1x16xf32> to vector<16xf32>
          %swap3A_205 = vector.shape_cast %sub3A_200 : vector<16xf32> to vector<1x16xf32>
          tpu.vector_store %arg4[%swap3A_201, %swap3A_202], %swap3A_205 {strides = array<i32>} : memref<300x256xf32, #tpu.memory_space<vmem>>, vector<1x16xf32>,
          %get3A_206 = arith.index_cast %scan3A_67 : i32 to index
          %get3A_207 = arith.constant 112 : index
          %get3A_208 = tpu.vector_load %arg4[%get3A_206, %get3A_207] {strides = array<i32>} : memref<300x256xf32, #tpu.memory_space<vmem>>, vector<1x16xf32>,
          %get3A_209 = vector.shape_cast %get3A_208 : vector<1x16xf32> to vector<16xf32>
          %get3A_210 = arith.index_cast %scan3A_67 : i32 to index
          %get3A_211 = arith.constant 112 : index
          %get3A_212 = tpu.vector_load %arg5[%get3A_210, %get3A_211] {strides = array<i32>} : memref<300x128xf32, #tpu.memory_space<vmem>>, vector<1x16xf32>,
          %get3A_213 = vector.shape_cast %get3A_212 : vector<1x16xf32> to vector<16xf32>
          %mul3A_214 = arith.constant 1.500000e+00 : f32
          %mul3A_215 = vector.broadcast %mul3A_214 : f32 to vector<16xf32>
          %mul3A_216 = arith.mulf %get3A_209, %mul3A_215 : vector<16xf32>
          %mul3A_217 = arith.constant 5.000000e-01 : f32
          %mul3A_218 = vector.broadcast %mul3A_217 : f32 to vector<16xf32>
          %mul3A_219 = arith.mulf %get3A_213, %mul3A_218 : vector<16xf32>
          %sub3A_220 = arith.subf %mul3A_216, %mul3A_219 : vector<16xf32>
          %swap3A_221 = arith.index_cast %scan3A_67 : i32 to index
          %swap3A_222 = arith.constant 112 : index
          %swap3A_223 = tpu.vector_load %arg4[%swap3A_221, %swap3A_222] {strides = array<i32>} : memref<300x256xf32, #tpu.memory_space<vmem>>, vector<1x16xf32>,
          %swap3A_224 = vector.shape_cast %swap3A_223 : vector<1x16xf32> to vector<16xf32>
          %swap3A_225 = vector.shape_cast %sub3A_220 : vector<16xf32> to vector<1x16xf32>
          tpu.vector_store %arg4[%swap3A_221, %swap3A_222], %swap3A_225 {strides = array<i32>} : memref<300x256xf32, #tpu.memory_space<vmem>>, vector<1x16xf32>,
        }
        %scan3A_66 = arith.constant 300 : i32
        "tpu.region"() ({
          %run_scoped3A = tpu.sem_alloc : memref<!tpu.dma_semaphore, #tpu.memory_space<semaphore_mem>>
          %dma_start3A = arith.constant 0 : i32
          %dma_start3A_67 = arith.constant 0 : i32
          %dma_start3A_68 = tpu.memref_slice %arg4[%dma_start3A, %dma_start3A_67] : memref<300x256xf32, #tpu.memory_space<vmem>> -> memref<300x128xf32, #tpu.memory_space<vmem>>
          %dma_start3A_69 = arith.constant 0 : i32
          %dma_start3A_70 = arith.constant 128 : i32
          %dma_start3A_71 = tpu.memref_slice %arg3[%add3A_9, %dma_start3A_69, %dma_start3A_70] : memref<399x300x256xf32, #tpu.memory_space<hbm>> -> memref<1x300x128xf32, #tpu.memory_space<hbm>>
          %dma_start3A_72 = tpu.memref_squeeze %dma_start3A_71 : memref<1x300x128xf32, #tpu.memory_space<hbm>> -> memref<300x128xf32, #tpu.memory_space<hbm>>
          %dma_start3A_73 = arith.constant 0 : i32
          %dma_start3A_74 = arith.constant 128 : i32
          %dma_start3A_75 = tpu.memref_slice %arg3[%add3A_9, %dma_start3A_73, %dma_start3A_74] : memref<399x300x256xf32, #tpu.memory_space<hbm>> -> memref<1x300x128xf32, #tpu.memory_space<hbm>>
          %dma_start3A_76 = tpu.memref_squeeze %dma_start3A_75 : memref<1x300x128xf32, #tpu.memory_space<hbm>> -> memref<300x128xf32, #tpu.memory_space<hbm>>
          %dma_start3A_77 = arith.constant 0 : i32
          %dma_start3A_78 = arith.constant 0 : i32
          %dma_start3A_79 = tpu.memref_slice %arg4[%dma_start3A_77, %dma_start3A_78] : memref<300x256xf32, #tpu.memory_space<vmem>> -> memref<300x128xf32, #tpu.memory_space<vmem>>
          tpu.enqueue_dma source(%dma_start3A_79 : memref<300x128xf32, #tpu.memory_space<vmem>>) target(%dma_start3A_76 : memref<300x128xf32, #tpu.memory_space<hbm>>) target_semaphore(%run_scoped3A : memref<!tpu.dma_semaphore, #tpu.memory_space<semaphore_mem>>)
          %dma_wait3A = arith.constant 0 : i32
          %dma_wait3A_80 = arith.constant 0 : i32
          %dma_wait3A_81 = tpu.memref_slice %arg4[%dma_wait3A, %dma_wait3A_80] : memref<300x256xf32, #tpu.memory_space<vmem>> -> memref<300x128xf32, #tpu.memory_space<vmem>>
          %dma_wait3A_82 = arith.constant 0 : i32
          %dma_wait3A_83 = arith.constant 128 : i32
          %dma_wait3A_84 = tpu.memref_slice %arg3[%add3A_9, %dma_wait3A_82, %dma_wait3A_83] : memref<399x300x256xf32, #tpu.memory_space<hbm>> -> memref<1x300x128xf32, #tpu.memory_space<hbm>>
          %dma_wait3A_85 = tpu.memref_squeeze %dma_wait3A_84 : memref<1x300x128xf32, #tpu.memory_space<hbm>> -> memref<300x128xf32, #tpu.memory_space<hbm>>
          %dma_wait3A_86 = arith.constant 0 : i32
          %dma_wait3A_87 = arith.constant 128 : i32
          %dma_wait3A_88 = tpu.memref_slice %arg3[%add3A_9, %dma_wait3A_86, %dma_wait3A_87] : memref<399x300x256xf32, #tpu.memory_space<hbm>> -> memref<1x300x128xf32, #tpu.memory_space<hbm>>
          %dma_wait3A_89 = tpu.memref_squeeze %dma_wait3A_88 : memref<1x300x128xf32, #tpu.memory_space<hbm>> -> memref<300x128xf32, #tpu.memory_space<hbm>>
          %dma_wait3A_90 = arith.constant 0 : i32
          %dma_wait3A_91 = arith.constant 0 : i32
          %dma_wait3A_92 = tpu.memref_slice %arg4[%dma_wait3A_90, %dma_wait3A_91] : memref<300x256xf32, #tpu.memory_space<vmem>> -> memref<300x128xf32, #tpu.memory_space<vmem>>
          tpu.wait_dma2 semaphore(%run_scoped3A : memref<!tpu.dma_semaphore, #tpu.memory_space<semaphore_mem>>) src(%dma_wait3A_92 : memref<300x128xf32, #tpu.memory_space<vmem>>) dst(%dma_wait3A_89 : memref<300x128xf32, #tpu.memory_space<hbm>>)
          tpu.yield
        }) : () -> ()
      } else {
      }
    }
    %scan3A_5 = arith.constant 13 : i32
    return
  }
}

</mosaic_0001>

<sc_bundles>
// kernel: kernel.3.cloned.1.call-start
scs
__scs_entry_jumppad:
0x0: {  	(pc) =	sbr.rel $0x88, $3  }
0x1: {  	(tag) =	ssettag $0x0;
	lr =	simm.s32 $0x1  }
0x2: {  	[smem:$0x3FA0] =	sst lr;
	_ =	strace $0xD0000000  }
0x3: {  	_ = 	snop  }
0x4: {  	_ = 	snop  }
0x5: {  	_ = 	snop  }
0x6: {  	_ = 	snop  }
0x7: {  	_ = 	snop  }
__scs_overlays_trampoline_lowered:
0x8: {  	[smem:$0x3FAF] =	sst s0  }
0x9: {  	[smem:$0x3FB0] =	sst s1  }
0xa: {  	[smem:$0x3FB1] =	sst s2  }
0xb: {  	[smem:$0x3FB2] =	sst s3  }
0xc: {  	[smem:$0x3FB3] =	sst s4  }
0xd: {  	[smem:$0x3FB4] =	sst s5  }
0xe: {  	[smem:$0x3FB5] =	sst s6  }
0xf: {  	[smem:$0x3FB6] =	sst s7  }
0x10: {  	[smem:$0x3FB7] =	sst s8  }
0x11: {  	[smem:$0x3FB8] =	sst s9;
	s0 =	simm.s32 @!p0 $0x0  }
0x12: {  	s1 =	sld [smem:$0x3F9E];
	s0 =	simm.s32 @p0 $0x1  }
0x13: {  	[smem:$0x3FB9] =	sst s0;
	s0 =	simm.s32 @!p1 $0x0  }
0x14: {  	s2 =	sld [smem:$0x3F9D];
	s0 =	simm.s32 @p1 $0x1  }
0x15: {  	[smem:$0x3FBA] =	sst s0;
	s0 =	simm.s32 @!p2 $0x0  }
0x16: {  	s3 =	sld [smem:$0x3FDB];
	s0 =	simm.s32 @p2 $0x1  }
0x17: {  	s4 =	simm.s32 $0x1BF5;
	[smem:$0x3FBC] =	sst s0  }
0x18: {  	s0 =	sld [smem:$0x3F9F];
	_ =	swait.ge [sflag:s4], $0x0  }
0x19: {  	s7 =	sld [smem:$0x3FA0]  }
0x1a: {  	s8 =	sadd.s32 $0xFFFFE003, lr  }
0x1b: {  	s9 =	sadd.s32 $0xFFFFFEF7, lr;
	s5 =	simm.s32 $0xFFFFFFFF;
	p2 =	slt.u32 s8, $0xFFFFF086  }
0x1c: {  	p1 =	slt.u32 s9, $0xF7A;
	s5 =	simm.s32 @!p2 $0x0  }
0x1d: {  	s5 =	simm.s32 @p1 $0x1;
	p0 =	seq.s32 s7, s2  }
0x1e: {  	s7 =	smul.u32 @!p0 $0xF7A, s2;
	p2 =	seq.s32 @!p0 s5, $0x0  }
0x1f: {  	s9 =	smul.u32 $0xF7A, s1;
	s8 =	simm.s32 @!p0 $0x1BF5;
	p2 =	por !p2, p0  }
0x20: {  	[sflag:s8] =	ssyncset.s32 @!p0 $0xFFFFF086;
	s6 =	sadd.s32 @!p0 s3, s7;
	s7 =	simm.s32 @!p0 $0x108  }
0x21: {  	s3 =	sadd.s32 s3, s9;
	s6 =	sadd.s32 @!p0 $0x88, s6;
	s7 =	simm.s32 @p2 $0x1082  }
0x22: {  	[simem:s7], [sflag:s8] =	dma.local @!p0 [hbm:s6], $0xF7A  }
0x23: {  	s9 =	sor.u32 $0xD0000000, s2;
	s6 =	simm.s32 $0x108;
	_ =	swait.ge @!p0 [sflag:s8], $0x0  }
0x24: {  	s3 =	sadd.s32 $0x88, s3;
	s6 =	simm.s32 @!p1 $0x1082;
	[sflag:s4] =	ssyncset.s32 $0xFFFFF086  }
0x25: {  	[simem:s6], [sflag:s4] =	dma.local [hbm:s3], $0xF7A  }
0x26: {  	[smem:$0x3FA0] =	sst s1;
	(tag) =	ssettag s2;
	_ =	strace s9  }
0x27: {  	s1 =	sld [smem:$0x3FB0]  }
0x28: {  	s2 =	sld [smem:$0x3FB1]  }
0x29: {  	s4 =	sld [smem:$0x3FB3]  }
0x2a: {  	p0 =	seq.s32 s5, $0x0;
	s5 =	sld [smem:$0x3FB4]  }
0x2b: {  	s6 =	sld [smem:$0x3FB5]  }
0x2c: {  	s7 =	sld [smem:$0x3FB6]  }
0x2d: {  	s3 =	simm.s32 $0x108;
	s8 =	sld [smem:$0x3FB7]  }
0x2e: {  	s3 =	simm.s32 @!p0 $0x1082;
	s9 =	sld [smem:$0x3FB8]  }
0x2f: {  	lr =	sadd.s32 s0, s3;
	s0 =	sld [smem:$0x3FAF]  }
0x30: {  	s3 =	sld [smem:$0x3FB2]  }
0x31: {  	[smem:$0x3FBB] =	sst s10  }
0x32: {  	s10 =	sld [smem:$0x3FB9];
	_ =	sdelay $0x3  }
0x33: {  	p0 =	seq.s32 s10, $0x1;
	s10 =	sld [smem:$0x3FBB];
	_ =	sdelay $0x3  }
0x34: {  	[smem:$0x3FBB] =	sst s10  }
0x35: {  	s10 =	sld [smem:$0x3FBA];
	_ =	sdelay $0x3  }
0x36: {  	p1 =	seq.s32 s10, $0x1;
	s10 =	sld [smem:$0x3FBB];
	_ =	sdelay $0x3  }
0x37: {  	[smem:$0x3FBB] =	sst s10  }
0x38: {  	s10 =	sld [smem:$0x3FBC]  }
0x39: {  	_ = 	snop;
	(pc) =	sbr.ind lr, $3  }
0x3a: {  	_ = 	snop  }
0x3b: {  	_ = 	snop  }
0x3c: {  	p2 =	seq.s32 s10, $0x1;
	s10 =	sld [smem:$0x3FBB]  }
0x3d: {  	_ =	shalt  }
0x3e: {  	_ =	shalt  }
0x3f: {  	_ =	shalt  }
0x40: {  	_ =	shalt  }
0x41: {  	_ =	shalt  }
0x42: {  	_ =	shalt  }
0x43: {  	_ =	shalt  }
0x44: {  	_ =	shalt  }
0x45: {  	_ =	shalt  }
0x46: {  	_ =	shalt  }
0x47: {  	_ =	shalt  }
0x48: {  	_ =	shalt  }
0x49: {  	_ =	shalt  }
0x4a: {  	_ =	shalt  }
0x4b: {  	_ =	shalt  }
0x4c: {  	_ =	shalt  }
0x4d: {  	_ =	shalt  }
0x4e: {  	_ =	shalt  }
0x4f: {  	_ =	shalt  }
0x50: {  	_ =	shalt  }
0x51: {  	_ =	shalt  }
0x52: {  	_ =	shalt  }
0x53: {  	_ =	shalt  }
0x54: {  	_ =	shalt  }
0x55: {  	_ =	shalt  }
0x56: {  	_ =	shalt  }
0x57: {  	_ =	shalt  }
0x58: {  	_ =	shalt  }
0x59: {  	_ =	shalt  }
0x5a: {  	_ =	shalt  }
0x5b: {  	_ =	shalt  }
0x5c: {  	_ =	shalt  }
0x5d: {  	_ =	shalt  }
0x5e: {  	_ =	shalt  }
0x5f: {  	_ =	shalt  }
0x60: {  	_ =	shalt  }
0x61: {  	_ =	shalt  }
0x62: {  	_ =	shalt  }
0x63: {  	_ =	shalt  }
0x64: {  	_ =	shalt  }
0x65: {  	_ =	shalt  }
0x66: {  	_ =	shalt  }
0x67: {  	_ =	shalt  }
0x68: {  	_ =	shalt  }
0x69: {  	_ =	shalt  }
0x6a: {  	_ =	shalt  }
0x6b: {  	_ =	shalt  }
0x6c: {  	_ =	shalt  }
0x6d: {  	_ =	shalt  }
0x6e: {  	_ =	shalt  }
0x6f: {  	_ =	shalt  }
0x70: {  	_ =	shalt  }
0x71: {  	_ =	shalt  }
0x72: {  	_ =	shalt  }
0x73: {  	_ =	shalt  }
0x74: {  	_ =	shalt  }
0x75: {  	_ =	shalt  }
0x76: {  	_ =	shalt  }
0x77: {  	_ =	shalt  }
0x78: {  	_ =	shalt  }
0x79: {  	_ =	shalt  }
0x7a: {  	_ =	shalt  }
0x7b: {  	_ =	shalt  }
0x7c: {  	_ =	shalt  }
0x7d: {  	_ =	shalt  }
0x7e: {  	_ =	shalt  }
0x7f: {  	_ =	shalt  }
0x80: {  	_ =	shalt  }
0x81: {  	_ =	shalt  }
0x82: {  	_ =	shalt  }
0x83: {  	_ =	shalt  }
0x84: {  	_ =	shalt  }
0x85: {  	_ =	shalt  }
0x86: {  	_ =	shalt  }
0x87: {  	_ =	shalt  }
.Lfunc_end0:
.L_simem_size_0:
called_computation_lowered:
.L_overlay_start_0:
0x88: {  	s2 =	sld [smem:$0x3FD9]  }
0x89: {  	s3 =	sld [smem:$0x3FFE];
	_ =	sdelay $0x1  }
0x8a: {  	s1 =	srdreg.scid  }
0x8b: {  	s0 =	sand.u32 $0x1, s1  }
0x8c: {  	s18 =	sshll.u32 s0, $0xA;
	s2 =	sadd.s32 s3, s2  }
0x8d: {  	s2 =	sadd.s32 s2, s18  }
0x8e: {  	[smem:$0x3FC7] =	sst s2  }
0x8f: {  	_ = 	snop  }
0x90: {  	s2 =	sld [smem:$0x3FC9]  }
0x91: {  	s19 =	sld [smem:$0x3FD0];
	(tm) =	ssettm $0x1  }
0x92: {  	s4 =	sld [smem:$0x3FFB];
	_ =	sdelay $0x3  }
0x93: {  	_ =	strace s4  }
0x94: {  	s4 =	sld [smem:$0x3FFC];
	_ =	sdelay $0x3  }
0x95: {  	_ =	strace s4  }
0x96: {  	s4 =	sld [smem:$0x3FFD];
	_ =	sdelay $0x3  }
0x97: {  	_ =	strace s4  }
0x98: {  	_ =	strace $0x8FFFFFFF  }
0x99: {  	s20 =	sld [smem:$0x3FDB];
	_ =	sdelay $0x1  }
0x9a: {  	s5 =	simm.s32 $_scs_section_size  }
0x9b: {  	s6 =	simm.s32 $_size__tile_overlayer_lowered;
	s7 =	simm.s32 $_tile_overlayer_lowered  }
0x9c: {  	s23 =	simm.s32 $0x1BFF;
	s22 =	sshll.u32 s7, $0x1;
	s4 =	sadd.s32 s5, s20  }
0x9d: {  	s8 =	simm.s32 $0x0;
	s21 =	sshll.u32 s6, $0x1;
	s6 =	sadd.s32 s22, s4  }
0x9e: {  	[timem:s8], [sflag:s23] =	dma.local [hbm:s6], s21  }
0x9f: {  	_ =	swait.ge [sflag:s23], s21  }
0xa0: {  	s5 =	ssub.s32 $0x0, s21;
	[sflag:s23] =	ssyncset.done $0x0  }
0xa1: {  	[sflag:s23] =	ssyncadd.s32 s5;
	_ =	sdelay $0x1  }
0xa2: {  	s24 =	simm.s32 $0x1B8B  }
0xa3: {  	_ =	swait.ge [sflag:s24], $0x1  }
0xa4: {  	[sflag:s24] =	ssyncset.done $0x0  }
0xa5: {  	s25 =	simm.s32 $0x1B8E;
	[sflag:s24] =	ssyncadd.s32 $0xFFFFFFFF  }
0xa6: {  	s26 =	simm.s32 $execute0_lowered;
	[smem:$0x3FD2] =	sst s25  }
0xa7: {  	s5 =	sshll.u32 s26, $0x1;
	_ =	strace $0x80000046;
	[dreg:$0x1] =	wrdreg $0xFFFFFFFF  }
0xa8: {  	s28 =	simm.s32 $_size_execute0_lowered;
	s4 =	sadd.s32 s4, s5;
	[dreg:$0x0] =	wrdreg $0x0  }
0xa9: {  	s5 =	sshll.u32 s28, $0x1;
	[dreg:$0x2] =	wrdreg s4  }
0xaa: {  	[dreg:$0x3] =	wrdreg s5  }
0xab: {  	[dreg:$0x4] =	wrdreg $0xC0  }
0xac: {  	_ =	task [dreg:s8], $0x5FFFF  }
0xad: {  	[dreg:$0x1] =	wrdreg $0xFFFFFFFF  }
0xae: {  	[dreg:$0x0] =	wrdreg $0x60  }
0xaf: {  	[dreg:$0x2] =	wrdreg s2  }
0xb0: {  	[dreg:$0x3] =	wrdreg s19  }
0xb1: {  	[dreg:$0x4] =	wrdreg $0x9  }
0xb2: {  	_ =	task.clear_ibuf [dreg:s8], $0x5FFFF;
	_ =	strace $0x90000046  }
0xb3: {  	s29 =	simm.s32 $0x9;
	_ =	strace $0x80000048  }
0xb4: {  	_ =	swait.ge [sflag:s29], $0x1  }
0xb5: {  	[sflag:s29] =	ssyncadd.s32 $0xFFFFFFFF  }
0xb6: {  	_ =	strace $0x90000048  }
0xb7: {  	_ =	sfence  }
0xb8: {  	s30 =	sld [smem:$0x0];
	_ =	sdelay $0x2  }
0xb9: {  	s31 =	sshll.u32 s1, $0xD;
	s1 =	sshrl.u32 s1, $0x2  }
0xba: {  	s3 =	sand.u32 $0x4000, s31;
	s1 =	sadd.s32 s1, s30  }
0xbb: {  	s0 =	sor.u32 s3, s0;
	s1 =	sshll.u32 s1, $0x11  }
0xbc: {  	s0 =	sor.u32 s1, s0  }
0xbd: {  	s0 =	sadd.s32 $0x8F2B, s0  }
0xbe: {  	[sflag:s0] =	ssyncadd.remote.s32 $0x1  }
0xbf: {  	_ =	sfence.sel $0xFFFF  }
0xc0: {  	[dreg:$0x0] =	wrdreg $0xFFFFFFFF;
	(pc) =	sbr.abs _section_cstart, $3  }
0xc1: {  	[dreg:$0x1] =	wrdreg $0xFFFFFFFF  }
0xc2: {  	_ =	task.clear_ibuf [dreg:s8], $0x2FFFF;
	_ =	strace $0x9FFFFFFF  }
0xc3: {  	(tm) =	ssettm $0x7FFFFFFF  }
tec
execute0_lowered:
.L_overlay_start_1:
0x0: {  	(tag) =	ssettag $0x1  }
0x1: {  	s1 =	rddreg [dreg:$0x0]  }
0x2: {  	s2 =	rddreg [dreg:$0x1]  }
0x3: {  	s4 =	srdreg.scid;
	s0 =	rddreg [dreg:$0x2];
	s3 =	simm.s32 $0x0  }
0x4: {  	s8 =	simm.s32 $0x2;
	s9 =	simm.s32 $0x400;
	s10 =	simm.s32 $0x800  }
.Ltmp0:
0x5: {  	s11 =	simm.s32 $0x13000;
	s5 =	sand.u32 $0x1, s4;
	(pc) =	sbr.rel .LBB2_1-.Ltmp0, $4  }
0x6: {  	s12 =	simm.s32 $0x1C400;
	s13 =	simm.s32 $0x1;
	s6 =	ssub.s32 $0x2, s5  }
0x7: {  	s14 =	simm.s32 $0x0;
	[smem:$0x7FF] =	sst s3;
	s7 =	sshrl.u32 s6, $0x1  }
0x8: {  	s4 =	stileid.u32;
	_ =	strace $0x80000047;
	s7 =	ssub.s32 s6, s7  }
0x9: {  	s5 =	sshll.u32 s5, $0x4;
	s6 =	sadd.s32 $0x80, s1;
	s7 =	smax.u32 s7, $0x1  }
.LBB2_17:
0xa: {  	s14 =	sadd.s32 $0x1, s14  }
0xb: {  	p0 =	sne.s32 s14, s7  }
.Ltmp1:
0xc: {  	_ = 	snop;
	(pc) =	sbr.rel @!p0 .LBB2_18-.Ltmp1, $1  }
0xd: {  	_ =	sdelay $0x3  }
.LBB2_1:
.Ltmp2:
0xe: {  	(pc) =	sbr.rel .LBB2_2-.Ltmp2, $2  }
0xf: {  	_ =	sdelay $0x2  }
0x10: {  	s15 =	simm.s32 $0x0  }
.LBB2_16:
0x11: {  	s15 =	sadd.s32 $0x1, s15  }
0x12: {  	p0 =	sne.s32 s15, $0xD  }
.Ltmp3:
0x13: {  	_ = 	snop;
	(pc) =	sbr.rel @!p0 .LBB2_17-.Ltmp3, $1  }
0x14: {  	_ =	sdelay $0x3  }
.LBB2_2:
0x15: {  	s16 =	sshll.u32 s15, $0x5  }
0x16: {  	s17 =	sor.u32 s5, s16  }
0x17: {  	s19 =	sor.u32 s4, s17  }
0x18: {  	p0 =	sgt.u32 s19, $0x110  }
0x19: {  	s16 =	smul.u32 @!p0 $0x2600, s19;
	_ =	sdelay $0x1  }
0x1a: {  	s20 =	simm.s32 @!p0 $0x0;
	s21 =	simm.s32 @!p0 $0x2;
	s18 =	sadd.s32 @!p0 s1, s16  }
0x1b: {  	[tilespmem:s20], [sflag:$0x2] =	stream.linear.gather @!p0 [hbm4b:s18+s20], $0x13000, $0x38;
	[tilespmem:$0x1C800] =	vst v63  }
0x1c: {  	s18 =	sadd.s32 $0xFFFFFEEF, s19;
	_ =	swait.ge @!p0 [sflag:s21], $0x13000  }
0x1d: {  	p1 =	sgt.u32 s18, $0x7D;
	[sflag:s21] =	ssyncset.done @!p0 $0x0  }
.Ltmp4:
0x1e: {  	s16 =	sadd.s32 @!p0 s2, s16;
	[sflag:s21] =	ssyncadd.s32 @!p0 $0xFFFED000;
	(pc) =	sbr.rel @p1 .LBB2_16-.Ltmp4, $4  }
0x1f: {  	[hbm4b:s16+s20] =	stream.linear.scatter @!p0 [tilespmem:s20], [sflag:$0x2], $0x13000, $0x38;
	[tilespmem:$0x1C800] =	vst v63  }
0x20: {  	_ =	swait.ge @!p0 [sflag:s21], $0x13000  }
0x21: {  	[sflag:s21] =	ssyncset.done @!p0 $0x0  }
0x22: {  	[sflag:s21] =	ssyncadd.s32 @!p0 $0xFFFED000  }
0x23: {  	s16 =	smul.u32 $0x2600, s19;
	_ =	sdelay $0x1  }
0x24: {  	s20 =	simm.s32 $0x0;
	s21 =	sadd.s32 s1, s16  }
0x25: {  	s22 =	simm.s32 $0x100;
	s23 =	simm.s32 $0x800;
	s24 =	sadd.s32 $0x0, s21  }
.LBB2_4:
0x26: {  	[tilespmem:s20], [sflag:$0x2] =	stream.linear.gather [hbm4b:s24+s3], $0x400, $0x38;
	[tilespmem:$0x1C800] =	vst v63  }
0x27: {  	s24 =	smov.u32 s22;
	s20 =	smov.u32 s23;
	p0 =	sne.s32 s22, $0x2500  }
.Ltmp5:
0x28: {  	s22 =	sadd.s32 $0x100, s22;
	(pc) =	sbr.rel @p0 .LBB2_4-.Ltmp5, $2  }
0x29: {  	_ =	sdelay $0x2  }
0x2a: {  	s23 =	sadd.s32 $0x800, s23;
	s24 =	sadd.s32 s24, s21  }
0x2b: {  	s19 =	sadd.s32 $0xFFFFFFB0, s19  }
0x2c: {  	s21 =	sshll.u32 s19, $0x18  }
0x2d: {  	s21 =	sshra.s32 s21, $0x18  }
0x2e: {  	s21 =	smul.u32 $0x56, s21  }
0x2f: {  	[tilespmem:s20], [sflag:$0x2] =	stream.linear.gather [hbm4b:s24+s3], $0x400, $0x38;
	[tilespmem:$0x1C800] =	vst v63  }
0x30: {  	s23 =	sshrl.u32 s21, $0x1F;
	s21 =	sshrl.u32 s21, $0x8  }
0x31: {  	s22 =	smul.u32 $0xAB, s18;
	s20 =	sadd.s32 s23, s21  }
0x32: {  	s20 =	smul.u32 $0x3, s20  }
0x33: {  	s24 =	sshrl.u32 s22, $0x9  }
0x34: {  	s21 =	sand.u32 $0x7F, s24;
	s19 =	ssub.s32 s19, s20  }
0x35: {  	s25 =	smul.u32 $0x3, s21;
	s19 =	sshll.u32 s19, $0x18  }
0x36: {  	s19 =	sshra.s32 s19, $0x18  }
0x37: {  	s26 =	ssub.s32 s18, s25;
	s20 =	simm.s32 $0x153;
	p0 =	slt.s32 s19, $0x0  }
0x38: {  	s18 =	sand.u32 $0xFF, s26;
	s20 =	simm.s32 @!p0 $0x150  }
0x39: {  	p0 =	slt.u32 s17, $0x150;
	s17 =	sadd.s32 $0x111, s18;
	s18 =	sadd.s32 s19, s20  }
0x3a: {  	s18 =	smov.u32 @p0 s17  }
0x3b: {  	_ =	swait.ge [sflag:s8], $0x9800;
	s17 =	smul.u32 $0x2600, s18  }
0x3c: {  	[sflag:s8] =	ssyncset.done $0x0  }
0x3d: {  	[sflag:s8] =	ssyncadd.s32 $0xFFFF6800;
	s18 =	sadd.s32 s1, s17  }
0x3e: {  	[tilespmem:s11], [sflag:$0x2] =	stream.strided.gather [hbm4b:s18+s9], $0x9400, s10, s9, $0x38;
	[tilespmem:$0x1C800] =	vst v63  }
0x3f: {  	s28 =	simm.s32 $0x0;
	s18 =	sadd.s32 $0x2500, s18  }
0x40: {  	[tilespmem:s12], [sflag:$0x2] =	stream.linear.gather [hbm4b:s18+s28], $0x200, $0x38;
	[tilespmem:$0x1C800] =	vst v63  }
0x41: {  	_ =	swait.ge [sflag:s8], $0x9600  }
0x42: {  	s29 =	sand.u32 $0x1F800, s28;
	s19 =	sand.u32 $0x380, s28;
	[sflag:s8] =	ssyncset.done $0x0  }
0x43: {  	s19 =	sor.u32 s19, s29;
	[sflag:s8] =	ssyncadd.s32 $0xFFFF6A00  }
0x44: {  	s18 =	simm.s32 $0x13040;
	v0 =	vld [tilespmem:s19+$0x0]  }
0x45: {  	v1 =	vld [tilespmem:s18+$0xFFFFFFC0];
	_ =	sdelay $0x4  }
0x46: {  	v0 =	vmul.f32 $1.500000000e+00, v0;
	v1 =	vmul.f32 $5.000000000e-01, v1;
	_ =	sdelay $0x1  }
0x47: {  	v0 =	vsub.f32 v0, v1;
	_ =	sdelay $0x1  }
0x48: {  	[tilespmem:s19+$0x0] =	vst v0;
	v0 =	vld [tilespmem:s19+$0x10]  }
0x49: {  	v1 =	vld [tilespmem:s18+$0xFFFFFFD0];
	_ =	sdelay $0x4  }
0x4a: {  	v0 =	vmul.f32 $1.500000000e+00, v0;
	v1 =	vmul.f32 $5.000000000e-01, v1;
	_ =	sdelay $0x1  }
0x4b: {  	v0 =	vsub.f32 v0, v1;
	_ =	sdelay $0x1  }
0x4c: {  	[tilespmem:s19+$0x10] =	vst v0;
	v0 =	vld [tilespmem:s19+$0x20]  }
0x4d: {  	v1 =	vld [tilespmem:s18+$0xFFFFFFE0];
	_ =	sdelay $0x4  }
0x4e: {  	v0 =	vmul.f32 $1.500000000e+00, v0;
	v1 =	vmul.f32 $5.000000000e-01, v1;
	_ =	sdelay $0x1  }
0x4f: {  	v0 =	vsub.f32 v0, v1;
	_ =	sdelay $0x1  }
0x50: {  	[tilespmem:s19+$0x20] =	vst v0;
	v0 =	vld [tilespmem:s19+$0x30]  }
0x51: {  	v1 =	vld [tilespmem:s18+$0xFFFFFFF0];
	_ =	sdelay $0x4  }
0x52: {  	v0 =	vmul.f32 $1.500000000e+00, v0;
	v1 =	vmul.f32 $5.000000000e-01, v1;
	_ =	sdelay $0x1  }
0x53: {  	v0 =	vsub.f32 v0, v1;
	_ =	sdelay $0x1  }
0x54: {  	[tilespmem:s19+$0x30] =	vst v0;
	v0 =	vld [tilespmem:s19+$0x40]  }
0x55: {  	v1 =	vld [tilespmem:s18+$0x0];
	_ =	sdelay $0x4  }
0x56: {  	v0 =	vmul.f32 $1.500000000e+00, v0;
	v1 =	vmul.f32 $5.000000000e-01, v1;
	_ =	sdelay $0x1  }
0x57: {  	v0 =	vsub.f32 v0, v1;
	_ =	sdelay $0x1  }
0x58: {  	[tilespmem:s19+$0x40] =	vst v0;
	v0 =	vld [tilespmem:s19+$0x50]  }
0x59: {  	v1 =	vld [tilespmem:s18+$0x10];
	_ =	sdelay $0x4  }
0x5a: {  	v0 =	vmul.f32 $1.500000000e+00, v0;
	v1 =	vmul.f32 $5.000000000e-01, v1;
	_ =	sdelay $0x1  }
0x5b: {  	v0 =	vsub.f32 v0, v1;
	_ =	sdelay $0x1  }
0x5c: {  	[tilespmem:s19+$0x50] =	vst v0;
	v0 =	vld [tilespmem:s19+$0x60]  }
0x5d: {  	v1 =	vld [tilespmem:s18+$0x20];
	_ =	sdelay $0x4  }
0x5e: {  	v0 =	vmul.f32 $1.500000000e+00, v0;
	v1 =	vmul.f32 $5.000000000e-01, v1;
	_ =	sdelay $0x1  }
0x5f: {  	v0 =	vsub.f32 v0, v1;
	_ =	sdelay $0x1  }
0x60: {  	[tilespmem:s19+$0x60] =	vst v0;
	v0 =	vld [tilespmem:s19+$0x70]  }
0x61: {  	v1 =	vld [tilespmem:s18+$0x30];
	_ =	sdelay $0x4  }
0x62: {  	v0 =	vmul.f32 $1.500000000e+00, v0;
	v1 =	vmul.f32 $5.000000000e-01, v1  }
0x63: {  	s30 =	simm.s32 $0x100;
	s20 =	simm.s32 $0x80  }
0x64: {  	s21 =	sand.u32 $0x1F800, s30;
	s31 =	sand.u32 $0x380, s20;
	v0 =	vsub.f32 v0, v1  }
0x65: {  	s22 =	sor.u32 s31, s21;
	s21 =	simm.s32 $0x200  }
.LBB2_6:
0x66: {  	p0 =	sne.s32 s21, $0x12B00;
	v1 =	vld [tilespmem:s22+$0x0];
	[tilespmem:s19+$0x70] =	vst v0;
	s18 =	sadd.s32 $0x80, s18;
	s19 =	smov.u32 s22  }
0x67: {  	v0 =	vld [tilespmem:s18+$0xFFFFFFC0];
	_ =	sdelay $0x4  }
0x68: {  	v1 =	vmul.f32 $1.500000000e+00, v1;
	v0 =	vmul.f32 $5.000000000e-01, v0;
	_ =	sdelay $0x1  }
0x69: {  	v0 =	vsub.f32 v1, v0;
	_ =	sdelay $0x1  }
0x6a: {  	[tilespmem:s19+$0x0] =	vst v0;
	v0 =	vld [tilespmem:s19+$0x10]  }
0x6b: {  	v1 =	vld [tilespmem:s18+$0xFFFFFFD0];
	_ =	sdelay $0x4  }
0x6c: {  	v0 =	vmul.f32 $1.500000000e+00, v0;
	v1 =	vmul.f32 $5.000000000e-01, v1;
	_ =	sdelay $0x1  }
0x6d: {  	v0 =	vsub.f32 v0, v1;
	_ =	sdelay $0x1  }
0x6e: {  	[tilespmem:s19+$0x10] =	vst v0;
	v0 =	vld [tilespmem:s19+$0x20]  }
0x6f: {  	v1 =	vld [tilespmem:s18+$0xFFFFFFE0];
	_ =	sdelay $0x4  }
0x70: {  	v0 =	vmul.f32 $1.500000000e+00, v0;
	v1 =	vmul.f32 $5.000000000e-01, v1;
	_ =	sdelay $0x1  }
0x71: {  	v0 =	vsub.f32 v0, v1;
	_ =	sdelay $0x1  }
0x72: {  	[tilespmem:s19+$0x20] =	vst v0;
	v0 =	vld [tilespmem:s19+$0x30]  }
0x73: {  	v1 =	vld [tilespmem:s18+$0xFFFFFFF0];
	_ =	sdelay $0x4  }
0x74: {  	v0 =	vmul.f32 $1.500000000e+00, v0;
	v1 =	vmul.f32 $5.000000000e-01, v1;
	_ =	sdelay $0x1  }
0x75: {  	v0 =	vsub.f32 v0, v1;
	_ =	sdelay $0x1  }
0x76: {  	[tilespmem:s19+$0x30] =	vst v0;
	v0 =	vld [tilespmem:s19+$0x40]  }
0x77: {  	v1 =	vld [tilespmem:s18+$0x0];
	_ =	sdelay $0x4  }
0x78: {  	v0 =	vmul.f32 $1.500000000e+00, v0;
	v1 =	vmul.f32 $5.000000000e-01, v1;
	_ =	sdelay $0x1  }
0x79: {  	v0 =	vsub.f32 v0, v1;
	_ =	sdelay $0x1  }
0x7a: {  	[tilespmem:s19+$0x40] =	vst v0;
	v0 =	vld [tilespmem:s19+$0x50]  }
0x7b: {  	v1 =	vld [tilespmem:s18+$0x10];
	_ =	sdelay $0x4  }
0x7c: {  	v0 =	vmul.f32 $1.500000000e+00, v0;
	v1 =	vmul.f32 $5.000000000e-01, v1;
	_ =	sdelay $0x1  }
0x7d: {  	v0 =	vsub.f32 v0, v1;
	_ =	sdelay $0x1  }
0x7e: {  	[tilespmem:s19+$0x50] =	vst v0;
	v0 =	vld [tilespmem:s19+$0x60]  }
0x7f: {  	v1 =	vld [tilespmem:s18+$0x20];
	_ =	sdelay $0x4  }
0x80: {  	v0 =	vmul.f32 $1.500000000e+00, v0;
	v1 =	vmul.f32 $5.000000000e-01, v1;
	_ =	sdelay $0x1  }
0x81: {  	v0 =	vsub.f32 v0, v1;
	_ =	sdelay $0x1  }
0x82: {  	[tilespmem:s19+$0x60] =	vst v0;
	v0 =	vld [tilespmem:s19+$0x70]  }
0x83: {  	v1 =	vld [tilespmem:s18+$0x30];
	_ =	sdelay $0x3  }
.Ltmp6:
0x84: {  	(pc) =	sbr.rel @p0 .LBB2_6-.Ltmp6, $4  }
0x85: {  	v0 =	vmul.f32 $1.500000000e+00, v0;
	v1 =	vmul.f32 $5.000000000e-01, v1  }
0x86: {  	s20 =	sadd.s32 $0x80, s20  }
0x87: {  	s22 =	sand.u32 $0x1F800, s21;
	s23 =	sand.u32 $0x380, s20;
	v0 =	vsub.f32 v0, v1  }
0x88: {  	s21 =	sadd.s32 $0x100, s21;
	s22 =	sor.u32 s23, s22  }
0x89: {  	v1 =	vld [tilespmem:s22+$0x0];
	[tilespmem:s19+$0x70] =	vst v0;
	s18 =	sadd.s32 $0x80, s18  }
0x8a: {  	v0 =	vld [tilespmem:s18+$0xFFFFFFC0];
	_ =	sdelay $0x4  }
0x8b: {  	v1 =	vmul.f32 $1.500000000e+00, v1;
	v0 =	vmul.f32 $5.000000000e-01, v0;
	_ =	sdelay $0x1  }
0x8c: {  	v0 =	vsub.f32 v1, v0;
	_ =	sdelay $0x1  }
0x8d: {  	v50 =	vld [tilespmem:s22+$0x10];
	[tilespmem:s22+$0x0] =	vst v0  }
0x8e: {  	v51 =	vld [tilespmem:s18+$0xFFFFFFD0];
	_ =	sdelay $0x4  }
0x8f: {  	v0 =	vmul.f32 $1.500000000e+00, v50;
	v1 =	vmul.f32 $5.000000000e-01, v51;
	_ =	sdelay $0x1  }
0x90: {  	v0 =	vsub.f32 v0, v1;
	_ =	sdelay $0x1  }
0x91: {  	v52 =	vld [tilespmem:s22+$0x20];
	[tilespmem:s22+$0x10] =	vst v0  }
0x92: {  	v53 =	vld [tilespmem:s18+$0xFFFFFFE0];
	_ =	sdelay $0x4  }
0x93: {  	v0 =	vmul.f32 $1.500000000e+00, v52;
	v1 =	vmul.f32 $5.000000000e-01, v53;
	_ =	sdelay $0x1  }
0x94: {  	v0 =	vsub.f32 v0, v1;
	_ =	sdelay $0x1  }
0x95: {  	v54 =	vld [tilespmem:s22+$0x30];
	[tilespmem:s22+$0x20] =	vst v0  }
0x96: {  	v55 =	vld [tilespmem:s18+$0xFFFFFFF0];
	_ =	sdelay $0x4  }
0x97: {  	v0 =	vmul.f32 $1.500000000e+00, v54;
	v1 =	vmul.f32 $5.000000000e-01, v55;
	_ =	sdelay $0x1  }
0x98: {  	v0 =	vsub.f32 v0, v1;
	_ =	sdelay $0x1  }
0x99: {  	v56 =	vld [tilespmem:s22+$0x40];
	[tilespmem:s22+$0x30] =	vst v0  }
0x9a: {  	v57 =	vld [tilespmem:s18+$0x0];
	_ =	sdelay $0x4  }
0x9b: {  	v0 =	vmul.f32 $1.500000000e+00, v56;
	v1 =	vmul.f32 $5.000000000e-01, v57;
	_ =	sdelay $0x1  }
0x9c: {  	v0 =	vsub.f32 v0, v1;
	_ =	sdelay $0x1  }
0x9d: {  	v58 =	vld [tilespmem:s22+$0x50];
	[tilespmem:s22+$0x40] =	vst v0  }
0x9e: {  	v59 =	vld [tilespmem:s18+$0x10];
	_ =	sdelay $0x4  }
0x9f: {  	v0 =	vmul.f32 $1.500000000e+00, v58;
	v1 =	vmul.f32 $5.000000000e-01, v59;
	_ =	sdelay $0x1  }
0xa0: {  	v0 =	vsub.f32 v0, v1;
	_ =	sdelay $0x1  }
0xa1: {  	v60 =	vld [tilespmem:s22+$0x60];
	[tilespmem:s22+$0x50] =	vst v0  }
0xa2: {  	v61 =	vld [tilespmem:s18+$0x20];
	_ =	sdelay $0x4  }
0xa3: {  	v0 =	vmul.f32 $1.500000000e+00, v60;
	v1 =	vmul.f32 $5.000000000e-01, v61;
	_ =	sdelay $0x1  }
0xa4: {  	v0 =	vsub.f32 v0, v1;
	_ =	sdelay $0x1  }
0xa5: {  	v62 =	vld [tilespmem:s22+$0x70];
	[tilespmem:s22+$0x60] =	vst v0  }
0xa6: {  	v63 =	vld [tilespmem:s18+$0x30];
	_ =	sdelay $0x4  }
0xa7: {  	v0 =	vmul.f32 $1.500000000e+00, v62;
	v1 =	vmul.f32 $5.000000000e-01, v63;
	_ =	sdelay $0x1  }
0xa8: {  	v0 =	vsub.f32 v0, v1  }
0xa9: {  	s19 =	simm.s32 $0x0;
	s18 =	sadd.s32 s2, s16  }
0xaa: {  	s20 =	simm.s32 $0x100;
	s21 =	simm.s32 $0x800;
	[tilespmem:s22+$0x70] =	vst v0;
	s22 =	sadd.s32 $0x0, s18  }
.LBB2_8:
0xab: {  	[hbm4b:s22+s3] =	stream.linear.scatter [tilespmem:s19], [sflag:$0x2], $0x400, $0x38;
	[tilespmem:$0x1C800] =	vst v63  }
0xac: {  	s22 =	smov.u32 s20;
	s19 =	smov.u32 s21;
	p0 =	sne.s32 s20, $0x2500  }
.Ltmp7:
0xad: {  	s20 =	sadd.s32 $0x100, s20;
	(pc) =	sbr.rel @p0 .LBB2_8-.Ltmp7, $2  }
0xae: {  	_ =	sdelay $0x2  }
0xaf: {  	s21 =	sadd.s32 $0x800, s21;
	s22 =	sadd.s32 s22, s18  }
0xb0: {  	[hbm4b:s22+s3] =	stream.linear.scatter [tilespmem:s19], [sflag:$0x2], $0x400, $0x38;
	[tilespmem:$0x1C800] =	vst v63  }
0xb1: {  	s16 =	sor.u32 $0x80, s16;
	s19 =	simm.s32 $0x0;
	_ =	swait.ge [sflag:s8], $0x9800  }
0xb2: {  	s20 =	simm.s32 $0x100;
	s18 =	sadd.s32 s1, s16;
	[sflag:s8] =	ssyncset.done $0x0  }
0xb3: {  	s21 =	simm.s32 $0x800;
	s22 =	sadd.s32 $0x0, s18;
	[sflag:s8] =	ssyncadd.s32 $0xFFFF6800  }
.LBB2_10:
0xb4: {  	[tilespmem:s19], [sflag:$0x2] =	stream.linear.gather [hbm4b:s22+s3], $0x400, $0x38;
	[tilespmem:$0x1C800] =	vst v63  }
0xb5: {  	s22 =	smov.u32 s20;
	s19 =	smov.u32 s21;
	p0 =	sne.s32 s20, $0x2500  }
.Ltmp8:
0xb6: {  	s20 =	sadd.s32 $0x100, s20;
	(pc) =	sbr.rel @p0 .LBB2_10-.Ltmp8, $2  }
0xb7: {  	_ =	sdelay $0x2  }
0xb8: {  	s21 =	sadd.s32 $0x800, s21;
	s22 =	sadd.s32 s22, s18  }
0xb9: {  	[tilespmem:s19], [sflag:$0x2] =	stream.linear.gather [hbm4b:s22+s3], $0x400, $0x38;
	[tilespmem:$0x1C800] =	vst v63  }
0xba: {  	_ =	swait.ge [sflag:s8], $0x9800  }
0xbb: {  	[sflag:s8] =	ssyncset.done $0x0  }
0xbc: {  	s17 =	sadd.s32 s17, s6;
	[sflag:s8] =	ssyncadd.s32 $0xFFFF6800  }
0xbd: {  	[tilespmem:s11], [sflag:$0x2] =	stream.strided.gather [hbm4b:s17+s9], $0x9400, s10, s9, $0x38;
	[tilespmem:$0x1C800] =	vst v63  }
0xbe: {  	s18 =	simm.s32 $0x0;
	s17 =	sadd.s32 $0x2500, s17  }
0xbf: {  	[tilespmem:s12], [sflag:$0x2] =	stream.linear.gather [hbm4b:s17+s18], $0x200, $0x38;
	[tilespmem:$0x1C800] =	vst v63  }
0xc0: {  	_ =	swait.ge [sflag:s8], $0x9600  }
0xc1: {  	s31 =	sand.u32 $0x1F800, s18;
	s18 =	sand.u32 $0x380, s18;
	[sflag:s8] =	ssyncset.done $0x0  }
0xc2: {  	s18 =	sor.u32 s18, s31;
	[sflag:s8] =	ssyncadd.s32 $0xFFFF6A00  }
0xc3: {  	s17 =	simm.s32 $0x13040;
	v0 =	vld [tilespmem:s18+$0x0]  }
0xc4: {  	v1 =	vld [tilespmem:s17+$0xFFFFFFC0];
	_ =	sdelay $0x4  }
0xc5: {  	v0 =	vmul.f32 $1.500000000e+00, v0;
	v1 =	vmul.f32 $5.000000000e-01, v1;
	_ =	sdelay $0x1  }
0xc6: {  	v0 =	vsub.f32 v0, v1;
	_ =	sdelay $0x1  }
0xc7: {  	[tilespmem:s18+$0x0] =	vst v0;
	v0 =	vld [tilespmem:s18+$0x10]  }
0xc8: {  	v1 =	vld [tilespmem:s17+$0xFFFFFFD0];
	_ =	sdelay $0x4  }
0xc9: {  	v0 =	vmul.f32 $1.500000000e+00, v0;
	v1 =	vmul.f32 $5.000000000e-01, v1;
	_ =	sdelay $0x1  }
0xca: {  	v0 =	vsub.f32 v0, v1;
	_ =	sdelay $0x1  }
0xcb: {  	[tilespmem:s18+$0x10] =	vst v0;
	v0 =	vld [tilespmem:s18+$0x20]  }
0xcc: {  	v1 =	vld [tilespmem:s17+$0xFFFFFFE0];
	_ =	sdelay $0x4  }
0xcd: {  	v0 =	vmul.f32 $1.500000000e+00, v0;
	v1 =	vmul.f32 $5.000000000e-01, v1;
	_ =	sdelay $0x1  }
0xce: {  	v0 =	vsub.f32 v0, v1;
	_ =	sdelay $0x1  }
0xcf: {  	[tilespmem:s18+$0x20] =	vst v0;
	v0 =	vld [tilespmem:s18+$0x30]  }
0xd0: {  	v1 =	vld [tilespmem:s17+$0xFFFFFFF0];
	_ =	sdelay $0x4  }
0xd1: {  	v0 =	vmul.f32 $1.500000000e+00, v0;
	v1 =	vmul.f32 $5.000000000e-01, v1;
	_ =	sdelay $0x1  }
0xd2: {  	v0 =	vsub.f32 v0, v1;
	_ =	sdelay $0x1  }
0xd3: {  	[tilespmem:s18+$0x30] =	vst v0;
	v0 =	vld [tilespmem:s18+$0x40]  }
0xd4: {  	v1 =	vld [tilespmem:s17+$0x0];
	_ =	sdelay $0x4  }
0xd5: {  	v0 =	vmul.f32 $1.500000000e+00, v0;
	v1 =	vmul.f32 $5.000000000e-01, v1;
	_ =	sdelay $0x1  }
0xd6: {  	v0 =	vsub.f32 v0, v1;
	_ =	sdelay $0x1  }
0xd7: {  	[tilespmem:s18+$0x40] =	vst v0;
	v0 =	vld [tilespmem:s18+$0x50]  }
0xd8: {  	v1 =	vld [tilespmem:s17+$0x10];
	_ =	sdelay $0x4  }
0xd9: {  	v0 =	vmul.f32 $1.500000000e+00, v0;
	v1 =	vmul.f32 $5.000000000e-01, v1;
	_ =	sdelay $0x1  }
0xda: {  	v0 =	vsub.f32 v0, v1;
	_ =	sdelay $0x1  }
0xdb: {  	[tilespmem:s18+$0x50] =	vst v0;
	v0 =	vld [tilespmem:s18+$0x60]  }
0xdc: {  	v1 =	vld [tilespmem:s17+$0x20];
	_ =	sdelay $0x4  }
0xdd: {  	v0 =	vmul.f32 $1.500000000e+00, v0;
	v1 =	vmul.f32 $5.000000000e-01, v1;
	_ =	sdelay $0x1  }
0xde: {  	v0 =	vsub.f32 v0, v1;
	_ =	sdelay $0x1  }
0xdf: {  	[tilespmem:s18+$0x60] =	vst v0;
	v0 =	vld [tilespmem:s18+$0x70]  }
0xe0: {  	v1 =	vld [tilespmem:s17+$0x30];
	_ =	sdelay $0x4  }
0xe1: {  	v0 =	vmul.f32 $1.500000000e+00, v0;
	v1 =	vmul.f32 $5.000000000e-01, v1  }
0xe2: {  	s20 =	simm.s32 $0x100;
	s19 =	simm.s32 $0x80  }
0xe3: {  	s20 =	sand.u32 $0x1F800, s20;
	s21 =	sand.u32 $0x380, s19;
	v0 =	vsub.f32 v0, v1  }
0xe4: {  	s21 =	sor.u32 s21, s20;
	s20 =	simm.s32 $0x200  }
.LBB2_12:
0xe5: {  	p0 =	sne.s32 s20, $0x12B00;
	v1 =	vld [tilespmem:s21+$0x0];
	[tilespmem:s18+$0x70] =	vst v0;
	s17 =	sadd.s32 $0x80, s17;
	s18 =	smov.u32 s21  }
0xe6: {  	v0 =	vld [tilespmem:s17+$0xFFFFFFC0];
	_ =	sdelay $0x4  }
0xe7: {  	v1 =	vmul.f32 $1.500000000e+00, v1;
	v0 =	vmul.f32 $5.000000000e-01, v0;
	_ =	sdelay $0x1  }
0xe8: {  	v0 =	vsub.f32 v1, v0;
	_ =	sdelay $0x1  }
0xe9: {  	[tilespmem:s18+$0x0] =	vst v0;
	v0 =	vld [tilespmem:s18+$0x10]  }
0xea: {  	v1 =	vld [tilespmem:s17+$0xFFFFFFD0];
	_ =	sdelay $0x4  }
0xeb: {  	v0 =	vmul.f32 $1.500000000e+00, v0;
	v1 =	vmul.f32 $5.000000000e-01, v1;
	_ =	sdelay $0x1  }
0xec: {  	v0 =	vsub.f32 v0, v1;
	_ =	sdelay $0x1  }
0xed: {  	[tilespmem:s18+$0x10] =	vst v0;
	v0 =	vld [tilespmem:s18+$0x20]  }
0xee: {  	v1 =	vld [tilespmem:s17+$0xFFFFFFE0];
	_ =	sdelay $0x4  }
0xef: {  	v0 =	vmul.f32 $1.500000000e+00, v0;
	v1 =	vmul.f32 $5.000000000e-01, v1;
	_ =	sdelay $0x1  }
0xf0: {  	v0 =	vsub.f32 v0, v1;
	_ =	sdelay $0x1  }
0xf1: {  	[tilespmem:s18+$0x20] =	vst v0;
	v0 =	vld [tilespmem:s18+$0x30]  }
0xf2: {  	v1 =	vld [tilespmem:s17+$0xFFFFFFF0];
	_ =	sdelay $0x4  }
0xf3: {  	v0 =	vmul.f32 $1.500000000e+00, v0;
	v1 =	vmul.f32 $5.000000000e-01, v1;
	_ =	sdelay $0x1  }
0xf4: {  	v0 =	vsub.f32 v0, v1;
	_ =	sdelay $0x1  }
0xf5: {  	[tilespmem:s18+$0x30] =	vst v0;
	v0 =	vld [tilespmem:s18+$0x40]  }
0xf6: {  	v1 =	vld [tilespmem:s17+$0x0];
	_ =	sdelay $0x4  }
0xf7: {  	v0 =	vmul.f32 $1.500000000e+00, v0;
	v1 =	vmul.f32 $5.000000000e-01, v1;
	_ =	sdelay $0x1  }
0xf8: {  	v0 =	vsub.f32 v0, v1;
	_ =	sdelay $0x1  }
0xf9: {  	[tilespmem:s18+$0x40] =	vst v0;
	v0 =	vld [tilespmem:s18+$0x50]  }
0xfa: {  	v1 =	vld [tilespmem:s17+$0x10];
	_ =	sdelay $0x4  }
0xfb: {  	v0 =	vmul.f32 $1.500000000e+00, v0;
	v1 =	vmul.f32 $5.000000000e-01, v1;
	_ =	sdelay $0x1  }
0xfc: {  	v0 =	vsub.f32 v0, v1;
	_ =	sdelay $0x1  }
0xfd: {  	[tilespmem:s18+$0x50] =	vst v0;
	v0 =	vld [tilespmem:s18+$0x60]  }
0xfe: {  	v1 =	vld [tilespmem:s17+$0x20];
	_ =	sdelay $0x4  }
0xff: {  	v0 =	vmul.f32 $1.500000000e+00, v0;
	v1 =	vmul.f32 $5.000000000e-01, v1;
	_ =	sdelay $0x1  }
0x100: {  	v0 =	vsub.f32 v0, v1;
	_ =	sdelay $0x1  }
0x101: {  	[tilespmem:s18+$0x60] =	vst v0;
	v0 =	vld [tilespmem:s18+$0x70]  }
0x102: {  	v1 =	vld [tilespmem:s17+$0x30];
	_ =	sdelay $0x3  }
.Ltmp9:
0x103: {  	(pc) =	sbr.rel @p0 .LBB2_12-.Ltmp9, $4  }
0x104: {  	v0 =	vmul.f32 $1.500000000e+00, v0;
	v1 =	vmul.f32 $5.000000000e-01, v1  }
0x105: {  	s19 =	sadd.s32 $0x80, s19  }
0x106: {  	s21 =	sand.u32 $0x1F800, s20;
	s22 =	sand.u32 $0x380, s19;
	v0 =	vsub.f32 v0, v1  }
0x107: {  	s20 =	sadd.s32 $0x100, s20;
	s21 =	sor.u32 s22, s21  }
0x108: {  	v1 =	vld [tilespmem:s21+$0x0];
	[tilespmem:s18+$0x70] =	vst v0;
	s17 =	sadd.s32 $0x80, s17  }
0x109: {  	v0 =	vld [tilespmem:s17+$0xFFFFFFC0];
	_ =	sdelay $0x4  }
0x10a: {  	v1 =	vmul.f32 $1.500000000e+00, v1;
	v0 =	vmul.f32 $5.000000000e-01, v0;
	_ =	sdelay $0x1  }
0x10b: {  	v0 =	vsub.f32 v1, v0;
	_ =	sdelay $0x1  }
0x10c: {  	v50 =	vld [tilespmem:s21+$0x10];
	[tilespmem:s21+$0x0] =	vst v0  }
0x10d: {  	v51 =	vld [tilespmem:s17+$0xFFFFFFD0];
	_ =	sdelay $0x4  }
0x10e: {  	v0 =	vmul.f32 $1.500000000e+00, v50;
	v1 =	vmul.f32 $5.000000000e-01, v51;
	_ =	sdelay $0x1  }
0x10f: {  	v0 =	vsub.f32 v0, v1;
	_ =	sdelay $0x1  }
0x110: {  	v52 =	vld [tilespmem:s21+$0x20];
	[tilespmem:s21+$0x10] =	vst v0  }
0x111: {  	v53 =	vld [tilespmem:s17+$0xFFFFFFE0];
	_ =	sdelay $0x4  }
0x112: {  	v0 =	vmul.f32 $1.500000000e+00, v52;
	v1 =	vmul.f32 $5.000000000e-01, v53;
	_ =	sdelay $0x1  }
0x113: {  	v0 =	vsub.f32 v0, v1;
	_ =	sdelay $0x1  }
0x114: {  	v54 =	vld [tilespmem:s21+$0x30];
	[tilespmem:s21+$0x20] =	vst v0  }
0x115: {  	v55 =	vld [tilespmem:s17+$0xFFFFFFF0];
	_ =	sdelay $0x4  }
0x116: {  	v0 =	vmul.f32 $1.500000000e+00, v54;
	v1 =	vmul.f32 $5.000000000e-01, v55;
	_ =	sdelay $0x1  }
0x117: {  	v0 =	vsub.f32 v0, v1;
	_ =	sdelay $0x1  }
0x118: {  	v56 =	vld [tilespmem:s21+$0x40];
	[tilespmem:s21+$0x30] =	vst v0  }
0x119: {  	v57 =	vld [tilespmem:s17+$0x0];
	_ =	sdelay $0x4  }
0x11a: {  	v0 =	vmul.f32 $1.500000000e+00, v56;
	v1 =	vmul.f32 $5.000000000e-01, v57;
	_ =	sdelay $0x1  }
0x11b: {  	v0 =	vsub.f32 v0, v1;
	_ =	sdelay $0x1  }
0x11c: {  	v58 =	vld [tilespmem:s21+$0x50];
	[tilespmem:s21+$0x40] =	vst v0  }
0x11d: {  	v59 =	vld [tilespmem:s17+$0x10];
	_ =	sdelay $0x4  }
0x11e: {  	v0 =	vmul.f32 $1.500000000e+00, v58;
	v1 =	vmul.f32 $5.000000000e-01, v59;
	_ =	sdelay $0x1  }
0x11f: {  	v0 =	vsub.f32 v0, v1;
	_ =	sdelay $0x1  }
0x120: {  	v60 =	vld [tilespmem:s21+$0x60];
	[tilespmem:s21+$0x50] =	vst v0  }
0x121: {  	v61 =	vld [tilespmem:s17+$0x20];
	_ =	sdelay $0x4  }
0x122: {  	v0 =	vmul.f32 $1.500000000e+00, v60;
	v1 =	vmul.f32 $5.000000000e-01, v61;
	_ =	sdelay $0x1  }
0x123: {  	v0 =	vsub.f32 v0, v1;
	_ =	sdelay $0x1  }
0x124: {  	v62 =	vld [tilespmem:s21+$0x70];
	[tilespmem:s21+$0x60] =	vst v0  }
0x125: {  	v63 =	vld [tilespmem:s17+$0x30];
	_ =	sdelay $0x4  }
0x126: {  	v0 =	vmul.f32 $1.500000000e+00, v62;
	v1 =	vmul.f32 $5.000000000e-01, v63;
	_ =	sdelay $0x1  }
0x127: {  	v0 =	vsub.f32 v0, v1  }
0x128: {  	s16 =	sadd.s32 s2, s16;
	s18 =	simm.s32 $0x100  }
0x129: {  	s19 =	simm.s32 $0x800;
	s20 =	sadd.s32 $0x0, s16;
	s17 =	simm.s32 $0x0;
	[tilespmem:s21+$0x70] =	vst v0  }
.LBB2_14:
0x12a: {  	[hbm4b:s20+s3] =	stream.linear.scatter [tilespmem:s17], [sflag:$0x1], $0x400, $0x38;
	[tilespmem:$0x1C800] =	vst v63  }
0x12b: {  	s20 =	smov.u32 s18;
	s17 =	smov.u32 s19;
	p0 =	sne.s32 s18, $0x2500  }
.Ltmp10:
0x12c: {  	s18 =	sadd.s32 $0x100, s18;
	(pc) =	sbr.rel @p0 .LBB2_14-.Ltmp10, $2  }
0x12d: {  	_ =	sdelay $0x2  }
0x12e: {  	s19 =	sadd.s32 $0x800, s19;
	s20 =	sadd.s32 s20, s16  }
.Ltmp11:
0x12f: {  	(pc) =	sbr.rel .LBB2_16-.Ltmp11, $4  }
0x130: {  	[hbm4b:s20+s3] =	stream.linear.scatter [tilespmem:s17], [sflag:$0x1], $0x400, $0x38;
	[tilespmem:$0x1C800] =	vst v63  }
0x131: {  	_ =	swait.ge [sflag:s13], $0x9800  }
0x132: {  	[sflag:s13] =	ssyncset.done $0x0  }
0x133: {  	[sflag:s13] =	ssyncadd.s32 $0xFFFF6800  }
.LBB2_18:
0x134: {  	_ =	sfence.sel $0x180000  }
0x135: {  	[bflag:$0x0] =	sbarrier.arrive $0xFFFF  }
0x136: {  	p0 =	sne.s32 s4, $0x0;
	_ =	strace $0x90000047  }
0x137: {  	s0 =	sadd.s32 @!p0 $0x100000, s0;
	[bflag:$0x2] =	sbarrier.arrive $0xFFFF  }
0x138: {  	[sflag:s0] =	ssyncadd.tile.s32 @!p0 $0x1;
	_ =	shalt  }
.Lfunc_end2:
_tile_overlayer_lowered:
.L_overlay_start_2:
0x139: {  	(tag) =	ssettag $0x2  }
0x13a: {  	s0 =	rddreg [dreg:$0x0];
	s2 =	stileid.u32  }
0x13b: {  	s1 =	rddreg [dreg:$0x1];
	p0 =	sne.s32 s2, $0x0  }
0x13c: {  	s3 =	rddreg [dreg:$0x2];
	[bflag:$0x3] =	sbarrier.arrive $0xFFFF;
	s2 =	simm.s32 @!p0 $0x1C01  }
0x13d: {  	[timem:s3], [sflag:s2] =	dma.local @!p0 [hbm:s0], s1  }
0x13e: {  	s0 =	simm.s32 @!p0 $0x1  }
0x13f: {  	_ =	swait.ge @!p0 [sflag:s0], s1  }
0x140: {  	s1 =	ssub.s32 @!p0 $0x0, s1;
	[sflag:s0] =	ssyncset.done @!p0 $0x0  }
0x141: {  	[sflag:s0] =	ssyncadd.s32 @!p0 s1  }
0x142: {  	[bflag:$0x3] =	sbarrier.arrive $0xFFFF  }
0x143: {  	_ =	shalt  }

</sc_bundles>
